<compile_context>
chip_gen: v7x
topology: tpu7x:2x2x1
jax: 0.10.2.dev20260603
libtpu: 0.0.44.dev20260713+nightly
codegen_flags: <defaults>
</compile_context>

<pallas_src>
import functools

import jax
import jax.numpy as jnp
from jax import lax
from jax.experimental import pallas as pl
from jax.experimental.pallas import tpu as pltpu
from jax.experimental.pallas import tpu_sc as plsc

B = 16384
D = 64
NC = 2
NS = 16
NW = NC * NS
BPW = B // NW

_vmesh = plsc.VectorSubcoreMesh(core_axis_name="c", subcore_axis_name="s")


@functools.partial(
    pl.kernel,
    mesh=_vmesh,
    out_type=jax.ShapeDtypeStruct((B, D), jnp.float32),
    scratch_types=[
        pltpu.MemorySpace.VMEM_SHARED((B,), jnp.int32),
        pltpu.SMEM((BPW,), jnp.int32),
        pltpu.VMEM((BPW, D), jnp.float32),
        pltpu.SemaphoreType.DMA,
    ],
)
def _sc_gather(table_hbm, idx_hbm, out_hbm, idx_sh, idx_s, rows_v, sem_g):
    sid = lax.axis_index("s")
    cid = lax.axis_index("c")
    wid = sid * NC + cid
    base = wid * BPW

    pltpu.sync_copy(idx_hbm.at[pl.ds(base, BPW)], idx_sh.at[pl.ds(base, BPW)])
    pltpu.sync_copy(idx_sh.at[pl.ds(base, BPW)], idx_s)

    @pl.loop(0, BPW, step=8)
    def _issue(i):
        for k in range(8):
            r = idx_s[i + k]

            @pl.when(r >= 0)
            def _fetch():
                pltpu.async_copy(
                    table_hbm.at[pl.ds(r, 1)], rows_v.at[pl.ds(i + k, 1)], sem_g
                )

    @pl.loop(0, BPW, step=8)
    def _drain(i):
        for k in range(8):
            r = idx_s[i + k]

            @pl.when(r >= 0)
            def _wait():
                pltpu.make_async_copy(
                    table_hbm.at[pl.ds(0, 1)], rows_v.at[pl.ds(i + k, 1)], sem_g
                ).wait()

    pltpu.sync_copy(rows_v, out_hbm.at[pl.ds(base, BPW)])


def _blend_body(looked_ref, nv_ref, m_ref, w_ref, b_ref, out_ref):
    num = nv_ref[...] * w_ref[...] + b_ref[...]
    out_ref[...] = jnp.where(m_ref[...] > 0.5, num, looked_ref[...])


_GRID = 8
_BLK = B // _GRID


def _blend(looked, nv, m, w, b):
    return pl.pallas_call(
        _blend_body,
        grid=(_GRID,),
        in_specs=[
            pl.BlockSpec((_BLK, D), lambda i: (i, 0)),
            pl.BlockSpec((_BLK, 1), lambda i: (i, 0)),
            pl.BlockSpec((_BLK, 1), lambda i: (i, 0)),
            pl.BlockSpec((1, D), lambda i: (0, 0)),
            pl.BlockSpec((1, D), lambda i: (0, 0)),
        ],
        out_specs=pl.BlockSpec((_BLK, D), lambda i: (i, 0)),
        out_shape=jax.ShapeDtypeStruct((B, D), jnp.float32),
    )(looked, nv, m, w, b)


def kernel(embedding_idx, numeric_value, is_numeric, table, W, b):
    idx = embedding_idx.astype(jnp.int32)
    midx = jnp.where(is_numeric, jnp.int32(-1), idx)
    looked = _sc_gather(table, midx)
    nv = numeric_value.reshape(B, 1)
    m = is_numeric.astype(jnp.float32).reshape(B, 1)
    w = W.reshape(1, D)
    bb = b.reshape(1, D)
    return _blend(looked, nv, m, w, bb)

# --- scband reference (transcript-rebuilt; emitter-appended) ---
"""Pipeline reference for scband-string-numeric-embedding-91096256348658 (READ-ONLY COPY).

The authoritative reference and input builder live on the scoring server;
editing this copy changes nothing except your own understanding.
"""

import jax, jax.numpy as jnp
import numpy as np

B = 16384
V = 1000001  # n_token + 1
D = 64

def setup_inputs(seed: int = 0) -> dict:
    key = jax.random.key(seed)
    k1, k2, k3, k4, k5, k6 = jax.random.split(key, 6)
    embedding_idx = jax.random.randint(k1, (B,), 0, V)
    numeric_value = jax.random.normal(k2, (B,), dtype=jnp.float32)
    is_numeric = jax.random.randint(k3, (B,), 0, 2).astype(jnp.bool_)
    table = jax.random.normal(k4, (V, D), dtype=jnp.float32) * 0.02
    W = jax.random.normal(k5, (D, 1), dtype=jnp.float32) * 0.02
    b = jax.random.normal(k6, (D,), dtype=jnp.float32) * 0.02
    return {"embedding_idx": embedding_idx, "numeric_value": numeric_value,
            "is_numeric": is_numeric, "table": table, "W": W, "b": b}

def reference(embedding_idx, numeric_value, is_numeric, table, W, b):
    # Original torch module: per-element, numeric values go through nn.Linear(1, d_model),
    # string tokens go through nn.Embedding(n_token+1, d_model). Vectorized here.
    # Numeric entries have embedding_idx == 0 in the original; indices are still valid,
    # the lookup result is simply masked out by the numeric branch.
    looked = jnp.take(table, embedding_idx, axis=0)                 # [B, D] gather
    num_emb = numeric_value[:, None] * W[:, 0][None, :] + b[None, :]  # Linear(1->D)
    out = jnp.where(is_numeric[:, None], num_emb, looked)
    return out

if __name__ == "__main__":
    import jax
    _d = setup_inputs()
    print(jax.jit(kernel)(*tuple(_d.values())))

</pallas_src>

<mosaic_0001>
#map = affine_map<(d0, d1) -> (0, 0)>
#map1 = affine_map<(d0, d1) -> (0)>
module attributes {stable_mosaic.version = 14 : i64} {
  func.func @_sc_gather(%arg0: i32, %arg1: i32, %arg2: memref<1000001x64xf32, #tpu.memory_space<hbm>>, %arg3: memref<16384xi32, #tpu.memory_space<hbm>>, %arg4: memref<16384x64xf32, #tpu.memory_space<hbm>>, %arg5: memref<16384xi32, #tpu.memory_space<vmem_shared>>, %arg6: memref<512xi32, #tpu.memory_space<smem>>, %arg7: memref<512x64xf32, #tpu.memory_space<vmem>>, %arg8: memref<!tpu.dma_semaphore, #tpu.memory_space<semaphore_mem>>) attributes {dimension_semantics = [#tpu.dimension_semantics<core_parallel>, #tpu.dimension_semantics<subcore_parallel>], iteration_bounds = array<i64: 2, 16>, scalar_prefetch = 0 : i64, scratch_operands = 4 : i64, tpu.core_type = #tpu.core_type<sc_vector_subcore>, window_params = [{transform_indices = #map}, {transform_indices = #map1}, {transform_indices = #map}]} {
    %mul3A = arith.constant 2 : i32
    %mul3A_0 = arith.muli %arg1, %mul3A : i32
    %add3A = arith.addi %mul3A_0, %arg0 : i32
    %mul3A_1 = arith.constant 512 : i32
    %mul3A_2 = arith.muli %add3A, %mul3A_1 : i32
    "tpu.region"() ({
      %run_scoped3A = tpu.sem_alloc : memref<!tpu.dma_semaphore, #tpu.memory_space<semaphore_mem>>
      %dma_start3A = tpu.memref_slice %arg5[%mul3A_2] : memref<16384xi32, #tpu.memory_space<vmem_shared>> -> memref<512xi32, #tpu.memory_space<vmem_shared>>
      %dma_start3A_12 = tpu.memref_slice %arg3[%mul3A_2] : memref<16384xi32, #tpu.memory_space<hbm>> -> memref<512xi32, #tpu.memory_space<hbm>>
      tpu.enqueue_dma source(%dma_start3A_12 : memref<512xi32, #tpu.memory_space<hbm>>) target(%dma_start3A : memref<512xi32, #tpu.memory_space<vmem_shared>>) target_semaphore(%run_scoped3A : memref<!tpu.dma_semaphore, #tpu.memory_space<semaphore_mem>>)
      %dma_wait3A = tpu.memref_slice %arg5[%mul3A_2] : memref<16384xi32, #tpu.memory_space<vmem_shared>> -> memref<512xi32, #tpu.memory_space<vmem_shared>>
      %dma_wait3A_13 = tpu.memref_slice %arg3[%mul3A_2] : memref<16384xi32, #tpu.memory_space<hbm>> -> memref<512xi32, #tpu.memory_space<hbm>>
      tpu.wait_dma2 semaphore(%run_scoped3A : memref<!tpu.dma_semaphore, #tpu.memory_space<semaphore_mem>>) src(%dma_wait3A_13 : memref<512xi32, #tpu.memory_space<hbm>>) dst(%dma_wait3A : memref<512xi32, #tpu.memory_space<vmem_shared>>)
      tpu.yield
    }) : () -> ()
    "tpu.region"() ({
      %run_scoped3A = tpu.sem_alloc : memref<!tpu.dma_semaphore, #tpu.memory_space<semaphore_mem>>
      %dma_start3A = tpu.memref_slice %arg5[%mul3A_2] : memref<16384xi32, #tpu.memory_space<vmem_shared>> -> memref<512xi32, #tpu.memory_space<vmem_shared>>
      tpu.enqueue_dma source(%dma_start3A : memref<512xi32, #tpu.memory_space<vmem_shared>>) target(%arg6 : memref<512xi32, #tpu.memory_space<smem>>) target_semaphore(%run_scoped3A : memref<!tpu.dma_semaphore, #tpu.memory_space<semaphore_mem>>)
      %dma_wait3A = tpu.memref_slice %arg5[%mul3A_2] : memref<16384xi32, #tpu.memory_space<vmem_shared>> -> memref<512xi32, #tpu.memory_space<vmem_shared>>
      tpu.wait_dma2 semaphore(%run_scoped3A : memref<!tpu.dma_semaphore, #tpu.memory_space<semaphore_mem>>) src(%dma_wait3A : memref<512xi32, #tpu.memory_space<vmem_shared>>) dst(%arg6 : memref<512xi32, #tpu.memory_space<smem>>)
      tpu.yield
    }) : () -> ()
    %scan3A = arith.constant 0 : i32
    %scan3A_3 = arith.constant 64 : i32
    %scan3A_4 = arith.addi %scan3A, %scan3A_3 : i32
    %scan3A_5 = arith.constant 1 : i32
    scf.for %scan3A_12 = %scan3A to %scan3A_4 step %scan3A_5  : i32 {
      %mul3A_13 = arith.constant 8 : i32
      %mul3A_14 = arith.muli %scan3A_12, %mul3A_13 : i32
      %add3A_15 = arith.constant 0 : i32
      %add3A_16 = arith.addi %add3A_15, %mul3A_14 : i32
      %add3A_17 = arith.constant 0 : i32
      %add3A_18 = arith.addi %add3A_16, %add3A_17 : i32
      %get3A = arith.index_cast %add3A_18 : i32 to index
      %get3A_19 = memref.load %arg6[%get3A] : memref<512xi32, #tpu.memory_space<smem>>
      %ge3A = arith.constant 0 : i32
      %ge3A_20 = arith.cmpi sge, %get3A_19, %ge3A : i32
      %convert_element_type3A = arith.extui %ge3A_20 : i1 to i32
      %cond3A = arith.constant 0 : i32
      %cond3A_21 = arith.cmpi ne, %convert_element_type3A, %cond3A : i32
      scf.if %cond3A_21 {
        %add3A_85 = arith.constant 0 : i32
        %add3A_86 = arith.addi %add3A_16, %add3A_85 : i32
        %dma_start3A = arith.constant 0 : i32
        %dma_start3A_87 = tpu.memref_slice %arg7[%add3A_86, %dma_start3A] : memref<512x64xf32, #tpu.memory_space<vmem>> -> memref<1x64xf32, #tpu.memory_space<vmem>>
        %dma_start3A_88 = arith.constant 0 : i32
        %dma_start3A_89 = tpu.memref_slice %arg2[%get3A_19, %dma_start3A_88] : memref<1000001x64xf32, #tpu.memory_space<hbm>> -> memref<1x64xf32, #tpu.memory_space<hbm>>
        %dma_start3A_90 = arith.constant 0 : i32
        %dma_start3A_91 = tpu.memref_slice %arg7[%add3A_86, %dma_start3A_90] : memref<512x64xf32, #tpu.memory_space<vmem>> -> memref<1x64xf32, #tpu.memory_space<vmem>>
        %dma_start3A_92 = arith.constant 0 : i32
        %dma_start3A_93 = tpu.memref_slice %arg2[%get3A_19, %dma_start3A_92] : memref<1000001x64xf32, #tpu.memory_space<hbm>> -> memref<1x64xf32, #tpu.memory_space<hbm>>
        tpu.enqueue_dma source(%dma_start3A_93 : memref<1x64xf32, #tpu.memory_space<hbm>>) target(%dma_start3A_91 : memref<1x64xf32, #tpu.memory_space<vmem>>) target_semaphore(%arg8 : memref<!tpu.dma_semaphore, #tpu.memory_space<semaphore_mem>>)
      } else {
      }
      %add3A_22 = arith.constant 1 : i32
      %add3A_23 = arith.addi %add3A_16, %add3A_22 : i32
      %get3A_24 = arith.index_cast %add3A_23 : i32 to index
      %get3A_25 = memref.load %arg6[%get3A_24] : memref<512xi32, #tpu.memory_space<smem>>
      %ge3A_26 = arith.constant 0 : i32
      %ge3A_27 = arith.cmpi sge, %get3A_25, %ge3A_26 : i32
      %convert_element_type3A_28 = arith.extui %ge3A_27 : i1 to i32
      %cond3A_29 = arith.constant 0 : i32
      %cond3A_30 = arith.cmpi ne, %convert_element_type3A_28, %cond3A_29 : i32
      scf.if %cond3A_30 {
        %add3A_85 = arith.constant 1 : i32
        %add3A_86 = arith.addi %add3A_16, %add3A_85 : i32
        %dma_start3A = arith.constant 0 : i32
        %dma_start3A_87 = tpu.memref_slice %arg7[%add3A_86, %dma_start3A] : memref<512x64xf32, #tpu.memory_space<vmem>> -> memref<1x64xf32, #tpu.memory_space<vmem>>
        %dma_start3A_88 = arith.constant 0 : i32
        %dma_start3A_89 = tpu.memref_slice %arg2[%get3A_25, %dma_start3A_88] : memref<1000001x64xf32, #tpu.memory_space<hbm>> -> memref<1x64xf32, #tpu.memory_space<hbm>>
        %dma_start3A_90 = arith.constant 0 : i32
        %dma_start3A_91 = tpu.memref_slice %arg7[%add3A_86, %dma_start3A_90] : memref<512x64xf32, #tpu.memory_space<vmem>> -> memref<1x64xf32, #tpu.memory_space<vmem>>
        %dma_start3A_92 = arith.constant 0 : i32
        %dma_start3A_93 = tpu.memref_slice %arg2[%get3A_25, %dma_start3A_92] : memref<1000001x64xf32, #tpu.memory_space<hbm>> -> memref<1x64xf32, #tpu.memory_space<hbm>>
        tpu.enqueue_dma source(%dma_start3A_93 : memref<1x64xf32, #tpu.memory_space<hbm>>) target(%dma_start3A_91 : memref<1x64xf32, #tpu.memory_space<vmem>>) target_semaphore(%arg8 : memref<!tpu.dma_semaphore, #tpu.memory_space<semaphore_mem>>)
      } else {
      }
      %add3A_31 = arith.constant 2 : i32
      %add3A_32 = arith.addi %add3A_16, %add3A_31 : i32
      %get3A_33 = arith.index_cast %add3A_32 : i32 to index
      %get3A_34 = memref.load %arg6[%get3A_33] : memref<512xi32, #tpu.memory_space<smem>>
      %ge3A_35 = arith.constant 0 : i32
      %ge3A_36 = arith.cmpi sge, %get3A_34, %ge3A_35 : i32
      %convert_element_type3A_37 = arith.extui %ge3A_36 : i1 to i32
      %cond3A_38 = arith.constant 0 : i32
      %cond3A_39 = arith.cmpi ne, %convert_element_type3A_37, %cond3A_38 : i32
      scf.if %cond3A_39 {
        %add3A_85 = arith.constant 2 : i32
        %add3A_86 = arith.addi %add3A_16, %add3A_85 : i32
        %dma_start3A = arith.constant 0 : i32
        %dma_start3A_87 = tpu.memref_slice %arg7[%add3A_86, %dma_start3A] : memref<512x64xf32, #tpu.memory_space<vmem>> -> memref<1x64xf32, #tpu.memory_space<vmem>>
        %dma_start3A_88 = arith.constant 0 : i32
        %dma_start3A_89 = tpu.memref_slice %arg2[%get3A_34, %dma_start3A_88] : memref<1000001x64xf32, #tpu.memory_space<hbm>> -> memref<1x64xf32, #tpu.memory_space<hbm>>
        %dma_start3A_90 = arith.constant 0 : i32
        %dma_start3A_91 = tpu.memref_slice %arg7[%add3A_86, %dma_start3A_90] : memref<512x64xf32, #tpu.memory_space<vmem>> -> memref<1x64xf32, #tpu.memory_space<vmem>>
        %dma_start3A_92 = arith.constant 0 : i32
        %dma_start3A_93 = tpu.memref_slice %arg2[%get3A_34, %dma_start3A_92] : memref<1000001x64xf32, #tpu.memory_space<hbm>> -> memref<1x64xf32, #tpu.memory_space<hbm>>
        tpu.enqueue_dma source(%dma_start3A_93 : memref<1x64xf32, #tpu.memory_space<hbm>>) target(%dma_start3A_91 : memref<1x64xf32, #tpu.memory_space<vmem>>) target_semaphore(%arg8 : memref<!tpu.dma_semaphore, #tpu.memory_space<semaphore_mem>>)
      } else {
      }
      %add3A_40 = arith.constant 3 : i32
      %add3A_41 = arith.addi %add3A_16, %add3A_40 : i32
      %get3A_42 = arith.index_cast %add3A_41 : i32 to index
      %get3A_43 = memref.load %arg6[%get3A_42] : memref<512xi32, #tpu.memory_space<smem>>
      %ge3A_44 = arith.constant 0 : i32
      %ge3A_45 = arith.cmpi sge, %get3A_43, %ge3A_44 : i32
      %convert_element_type3A_46 = arith.extui %ge3A_45 : i1 to i32
      %cond3A_47 = arith.constant 0 : i32
      %cond3A_48 = arith.cmpi ne, %convert_element_type3A_46, %cond3A_47 : i32
      scf.if %cond3A_48 {
        %add3A_85 = arith.constant 3 : i32
        %add3A_86 = arith.addi %add3A_16, %add3A_85 : i32
        %dma_start3A = arith.constant 0 : i32
        %dma_start3A_87 = tpu.memref_slice %arg7[%add3A_86, %dma_start3A] : memref<512x64xf32, #tpu.memory_space<vmem>> -> memref<1x64xf32, #tpu.memory_space<vmem>>
        %dma_start3A_88 = arith.constant 0 : i32
        %dma_start3A_89 = tpu.memref_slice %arg2[%get3A_43, %dma_start3A_88] : memref<1000001x64xf32, #tpu.memory_space<hbm>> -> memref<1x64xf32, #tpu.memory_space<hbm>>
        %dma_start3A_90 = arith.constant 0 : i32
        %dma_start3A_91 = tpu.memref_slice %arg7[%add3A_86, %dma_start3A_90] : memref<512x64xf32, #tpu.memory_space<vmem>> -> memref<1x64xf32, #tpu.memory_space<vmem>>
        %dma_start3A_92 = arith.constant 0 : i32
        %dma_start3A_93 = tpu.memref_slice %arg2[%get3A_43, %dma_start3A_92] : memref<1000001x64xf32, #tpu.memory_space<hbm>> -> memref<1x64xf32, #tpu.memory_space<hbm>>
        tpu.enqueue_dma source(%dma_start3A_93 : memref<1x64xf32, #tpu.memory_space<hbm>>) target(%dma_start3A_91 : memref<1x64xf32, #tpu.memory_space<vmem>>) target_semaphore(%arg8 : memref<!tpu.dma_semaphore, #tpu.memory_space<semaphore_mem>>)
      } else {
      }
      %add3A_49 = arith.constant 4 : i32
      %add3A_50 = arith.addi %add3A_16, %add3A_49 : i32
      %get3A_51 = arith.index_cast %add3A_50 : i32 to index
      %get3A_52 = memref.load %arg6[%get3A_51] : memref<512xi32, #tpu.memory_space<smem>>
      %ge3A_53 = arith.constant 0 : i32
      %ge3A_54 = arith.cmpi sge, %get3A_52, %ge3A_53 : i32
      %convert_element_type3A_55 = arith.extui %ge3A_54 : i1 to i32
      %cond3A_56 = arith.constant 0 : i32
      %cond3A_57 = arith.cmpi ne, %convert_element_type3A_55, %cond3A_56 : i32
      scf.if %cond3A_57 {
        %add3A_85 = arith.constant 4 : i32
        %add3A_86 = arith.addi %add3A_16, %add3A_85 : i32
        %dma_start3A = arith.constant 0 : i32
        %dma_start3A_87 = tpu.memref_slice %arg7[%add3A_86, %dma_start3A] : memref<512x64xf32, #tpu.memory_space<vmem>> -> memref<1x64xf32, #tpu.memory_space<vmem>>
        %dma_start3A_88 = arith.constant 0 : i32
        %dma_start3A_89 = tpu.memref_slice %arg2[%get3A_52, %dma_start3A_88] : memref<1000001x64xf32, #tpu.memory_space<hbm>> -> memref<1x64xf32, #tpu.memory_space<hbm>>
        %dma_start3A_90 = arith.constant 0 : i32
        %dma_start3A_91 = tpu.memref_slice %arg7[%add3A_86, %dma_start3A_90] : memref<512x64xf32, #tpu.memory_space<vmem>> -> memref<1x64xf32, #tpu.memory_space<vmem>>
        %dma_start3A_92 = arith.constant 0 : i32
        %dma_start3A_93 = tpu.memref_slice %arg2[%get3A_52, %dma_start3A_92] : memref<1000001x64xf32, #tpu.memory_space<hbm>> -> memref<1x64xf32, #tpu.memory_space<hbm>>
        tpu.enqueue_dma source(%dma_start3A_93 : memref<1x64xf32, #tpu.memory_space<hbm>>) target(%dma_start3A_91 : memref<1x64xf32, #tpu.memory_space<vmem>>) target_semaphore(%arg8 : memref<!tpu.dma_semaphore, #tpu.memory_space<semaphore_mem>>)
      } else {
      }
      %add3A_58 = arith.constant 5 : i32
      %add3A_59 = arith.addi %add3A_16, %add3A_58 : i32
      %get3A_60 = arith.index_cast %add3A_59 : i32 to index
      %get3A_61 = memref.load %arg6[%get3A_60] : memref<512xi32, #tpu.memory_space<smem>>
      %ge3A_62 = arith.constant 0 : i32
      %ge3A_63 = arith.cmpi sge, %get3A_61, %ge3A_62 : i32
      %convert_element_type3A_64 = arith.extui %ge3A_63 : i1 to i32
      %cond3A_65 = arith.constant 0 : i32
      %cond3A_66 = arith.cmpi ne, %convert_element_type3A_64, %cond3A_65 : i32
      scf.if %cond3A_66 {
        %add3A_85 = arith.constant 5 : i32
        %add3A_86 = arith.addi %add3A_16, %add3A_85 : i32
        %dma_start3A = arith.constant 0 : i32
        %dma_start3A_87 = tpu.memref_slice %arg7[%add3A_86, %dma_start3A] : memref<512x64xf32, #tpu.memory_space<vmem>> -> memref<1x64xf32, #tpu.memory_space<vmem>>
        %dma_start3A_88 = arith.constant 0 : i32
        %dma_start3A_89 = tpu.memref_slice %arg2[%get3A_61, %dma_start3A_88] : memref<1000001x64xf32, #tpu.memory_space<hbm>> -> memref<1x64xf32, #tpu.memory_space<hbm>>
        %dma_start3A_90 = arith.constant 0 : i32
        %dma_start3A_91 = tpu.memref_slice %arg7[%add3A_86, %dma_start3A_90] : memref<512x64xf32, #tpu.memory_space<vmem>> -> memref<1x64xf32, #tpu.memory_space<vmem>>
        %dma_start3A_92 = arith.constant 0 : i32
        %dma_start3A_93 = tpu.memref_slice %arg2[%get3A_61, %dma_start3A_92] : memref<1000001x64xf32, #tpu.memory_space<hbm>> -> memref<1x64xf32, #tpu.memory_space<hbm>>
        tpu.enqueue_dma source(%dma_start3A_93 : memref<1x64xf32, #tpu.memory_space<hbm>>) target(%dma_start3A_91 : memref<1x64xf32, #tpu.memory_space<vmem>>) target_semaphore(%arg8 : memref<!tpu.dma_semaphore, #tpu.memory_space<semaphore_mem>>)
      } else {
      }
      %add3A_67 = arith.constant 6 : i32
      %add3A_68 = arith.addi %add3A_16, %add3A_67 : i32
      %get3A_69 = arith.index_cast %add3A_68 : i32 to index
      %get3A_70 = memref.load %arg6[%get3A_69] : memref<512xi32, #tpu.memory_space<smem>>
      %ge3A_71 = arith.constant 0 : i32
      %ge3A_72 = arith.cmpi sge, %get3A_70, %ge3A_71 : i32
      %convert_element_type3A_73 = arith.extui %ge3A_72 : i1 to i32
      %cond3A_74 = arith.constant 0 : i32
      %cond3A_75 = arith.cmpi ne, %convert_element_type3A_73, %cond3A_74 : i32
      scf.if %cond3A_75 {
        %add3A_85 = arith.constant 6 : i32
        %add3A_86 = arith.addi %add3A_16, %add3A_85 : i32
        %dma_start3A = arith.constant 0 : i32
        %dma_start3A_87 = tpu.memref_slice %arg7[%add3A_86, %dma_start3A] : memref<512x64xf32, #tpu.memory_space<vmem>> -> memref<1x64xf32, #tpu.memory_space<vmem>>
        %dma_start3A_88 = arith.constant 0 : i32
        %dma_start3A_89 = tpu.memref_slice %arg2[%get3A_70, %dma_start3A_88] : memref<1000001x64xf32, #tpu.memory_space<hbm>> -> memref<1x64xf32, #tpu.memory_space<hbm>>
        %dma_start3A_90 = arith.constant 0 : i32
        %dma_start3A_91 = tpu.memref_slice %arg7[%add3A_86, %dma_start3A_90] : memref<512x64xf32, #tpu.memory_space<vmem>> -> memref<1x64xf32, #tpu.memory_space<vmem>>
        %dma_start3A_92 = arith.constant 0 : i32
        %dma_start3A_93 = tpu.memref_slice %arg2[%get3A_70, %dma_start3A_92] : memref<1000001x64xf32, #tpu.memory_space<hbm>> -> memref<1x64xf32, #tpu.memory_space<hbm>>
        tpu.enqueue_dma source(%dma_start3A_93 : memref<1x64xf32, #tpu.memory_space<hbm>>) target(%dma_start3A_91 : memref<1x64xf32, #tpu.memory_space<vmem>>) target_semaphore(%arg8 : memref<!tpu.dma_semaphore, #tpu.memory_space<semaphore_mem>>)
      } else {
      }
      %add3A_76 = arith.constant 7 : i32
      %add3A_77 = arith.addi %add3A_16, %add3A_76 : i32
      %get3A_78 = arith.index_cast %add3A_77 : i32 to index
      %get3A_79 = memref.load %arg6[%get3A_78] : memref<512xi32, #tpu.memory_space<smem>>
      %ge3A_80 = arith.constant 0 : i32
      %ge3A_81 = arith.cmpi sge, %get3A_79, %ge3A_80 : i32
      %convert_element_type3A_82 = arith.extui %ge3A_81 : i1 to i32
      %cond3A_83 = arith.constant 0 : i32
      %cond3A_84 = arith.cmpi ne, %convert_element_type3A_82, %cond3A_83 : i32
      scf.if %cond3A_84 {
        %add3A_85 = arith.constant 7 : i32
        %add3A_86 = arith.addi %add3A_16, %add3A_85 : i32
        %dma_start3A = arith.constant 0 : i32
        %dma_start3A_87 = tpu.memref_slice %arg7[%add3A_86, %dma_start3A] : memref<512x64xf32, #tpu.memory_space<vmem>> -> memref<1x64xf32, #tpu.memory_space<vmem>>
        %dma_start3A_88 = arith.constant 0 : i32
        %dma_start3A_89 = tpu.memref_slice %arg2[%get3A_79, %dma_start3A_88] : memref<1000001x64xf32, #tpu.memory_space<hbm>> -> memref<1x64xf32, #tpu.memory_space<hbm>>
        %dma_start3A_90 = arith.constant 0 : i32
        %dma_start3A_91 = tpu.memref_slice %arg7[%add3A_86, %dma_start3A_90] : memref<512x64xf32, #tpu.memory_space<vmem>> -> memref<1x64xf32, #tpu.memory_space<vmem>>
        %dma_start3A_92 = arith.constant 0 : i32
        %dma_start3A_93 = tpu.memref_slice %arg2[%get3A_79, %dma_start3A_92] : memref<1000001x64xf32, #tpu.memory_space<hbm>> -> memref<1x64xf32, #tpu.memory_space<hbm>>
        tpu.enqueue_dma source(%dma_start3A_93 : memref<1x64xf32, #tpu.memory_space<hbm>>) target(%dma_start3A_91 : memref<1x64xf32, #tpu.memory_space<vmem>>) target_semaphore(%arg8 : memref<!tpu.dma_semaphore, #tpu.memory_space<semaphore_mem>>)
      } else {
      }
    }
    %scan3A_6 = arith.constant 64 : i32
    %scan3A_7 = arith.constant 0 : i32
    %scan3A_8 = arith.constant 64 : i32
    %scan3A_9 = arith.addi %scan3A_7, %scan3A_8 : i32
    %scan3A_10 = arith.constant 1 : i32
    scf.for %scan3A_12 = %scan3A_7 to %scan3A_9 step %scan3A_10  : i32 {
      %mul3A_13 = arith.constant 8 : i32
      %mul3A_14 = arith.muli %scan3A_12, %mul3A_13 : i32
      %add3A_15 = arith.constant 0 : i32
      %add3A_16 = arith.addi %add3A_15, %mul3A_14 : i32
      %add3A_17 = arith.constant 0 : i32
      %add3A_18 = arith.addi %add3A_16, %add3A_17 : i32
      %get3A = arith.index_cast %add3A_18 : i32 to index
      %get3A_19 = memref.load %arg6[%get3A] : memref<512xi32, #tpu.memory_space<smem>>
      %ge3A = arith.constant 0 : i32
      %ge3A_20 = arith.cmpi sge, %get3A_19, %ge3A : i32
      %convert_element_type3A = arith.extui %ge3A_20 : i1 to i32
      %cond3A = arith.constant 0 : i32
      %cond3A_21 = arith.cmpi ne, %convert_element_type3A, %cond3A : i32
      scf.if %cond3A_21 {
        %add3A_85 = arith.constant 0 : i32
        %add3A_86 = arith.addi %add3A_16, %add3A_85 : i32
        %dma_wait3A = arith.constant 0 : i32
        %dma_wait3A_87 = tpu.memref_slice %arg7[%add3A_86, %dma_wait3A] : memref<512x64xf32, #tpu.memory_space<vmem>> -> memref<1x64xf32, #tpu.memory_space<vmem>>
        %dma_wait3A_88 = arith.constant 0 : i32
        %dma_wait3A_89 = arith.constant 0 : i32
        %dma_wait3A_90 = tpu.memref_slice %arg2[%dma_wait3A_88, %dma_wait3A_89] : memref<1000001x64xf32, #tpu.memory_space<hbm>> -> memref<1x64xf32, #tpu.memory_space<hbm>>
        %dma_wait3A_91 = arith.constant 0 : i32
        %dma_wait3A_92 = tpu.memref_slice %arg7[%add3A_86, %dma_wait3A_91] : memref<512x64xf32, #tpu.memory_space<vmem>> -> memref<1x64xf32, #tpu.memory_space<vmem>>
        %dma_wait3A_93 = arith.constant 0 : i32
        %dma_wait3A_94 = arith.constant 0 : i32
        %dma_wait3A_95 = tpu.memref_slice %arg2[%dma_wait3A_93, %dma_wait3A_94] : memref<1000001x64xf32, #tpu.memory_space<hbm>> -> memref<1x64xf32, #tpu.memory_space<hbm>>
        tpu.wait_dma2 semaphore(%arg8 : memref<!tpu.dma_semaphore, #tpu.memory_space<semaphore_mem>>) src(%dma_wait3A_95 : memref<1x64xf32, #tpu.memory_space<hbm>>) dst(%dma_wait3A_92 : memref<1x64xf32, #tpu.memory_space<vmem>>)
      } else {
      }
      %add3A_22 = arith.constant 1 : i32
      %add3A_23 = arith.addi %add3A_16, %add3A_22 : i32
      %get3A_24 = arith.index_cast %add3A_23 : i32 to index
      %get3A_25 = memref.load %arg6[%get3A_24] : memref<512xi32, #tpu.memory_space<smem>>
      %ge3A_26 = arith.constant 0 : i32
      %ge3A_27 = arith.cmpi sge, %get3A_25, %ge3A_26 : i32
      %convert_element_type3A_28 = arith.extui %ge3A_27 : i1 to i32
      %cond3A_29 = arith.constant 0 : i32
      %cond3A_30 = arith.cmpi ne, %convert_element_type3A_28, %cond3A_29 : i32
      scf.if %cond3A_30 {
        %add3A_85 = arith.constant 1 : i32
        %add3A_86 = arith.addi %add3A_16, %add3A_85 : i32
        %dma_wait3A = arith.constant 0 : i32
        %dma_wait3A_87 = tpu.memref_slice %arg7[%add3A_86, %dma_wait3A] : memref<512x64xf32, #tpu.memory_space<vmem>> -> memref<1x64xf32, #tpu.memory_space<vmem>>
        %dma_wait3A_88 = arith.constant 0 : i32
        %dma_wait3A_89 = arith.constant 0 : i32
        %dma_wait3A_90 = tpu.memref_slice %arg2[%dma_wait3A_88, %dma_wait3A_89] : memref<1000001x64xf32, #tpu.memory_space<hbm>> -> memref<1x64xf32, #tpu.memory_space<hbm>>
        %dma_wait3A_91 = arith.constant 0 : i32
        %dma_wait3A_92 = tpu.memref_slice %arg7[%add3A_86, %dma_wait3A_91] : memref<512x64xf32, #tpu.memory_space<vmem>> -> memref<1x64xf32, #tpu.memory_space<vmem>>
        %dma_wait3A_93 = arith.constant 0 : i32
        %dma_wait3A_94 = arith.constant 0 : i32
        %dma_wait3A_95 = tpu.memref_slice %arg2[%dma_wait3A_93, %dma_wait3A_94] : memref<1000001x64xf32, #tpu.memory_space<hbm>> -> memref<1x64xf32, #tpu.memory_space<hbm>>
        tpu.wait_dma2 semaphore(%arg8 : memref<!tpu.dma_semaphore, #tpu.memory_space<semaphore_mem>>) src(%dma_wait3A_95 : memref<1x64xf32, #tpu.memory_space<hbm>>) dst(%dma_wait3A_92 : memref<1x64xf32, #tpu.memory_space<vmem>>)
      } else {
      }
      %add3A_31 = arith.constant 2 : i32
      %add3A_32 = arith.addi %add3A_16, %add3A_31 : i32
      %get3A_33 = arith.index_cast %add3A_32 : i32 to index
      %get3A_34 = memref.load %arg6[%get3A_33] : memref<512xi32, #tpu.memory_space<smem>>
      %ge3A_35 = arith.constant 0 : i32
      %ge3A_36 = arith.cmpi sge, %get3A_34, %ge3A_35 : i32
      %convert_element_type3A_37 = arith.extui %ge3A_36 : i1 to i32
      %cond3A_38 = arith.constant 0 : i32
      %cond3A_39 = arith.cmpi ne, %convert_element_type3A_37, %cond3A_38 : i32
      scf.if %cond3A_39 {
        %add3A_85 = arith.constant 2 : i32
        %add3A_86 = arith.addi %add3A_16, %add3A_85 : i32
        %dma_wait3A = arith.constant 0 : i32
        %dma_wait3A_87 = tpu.memref_slice %arg7[%add3A_86, %dma_wait3A] : memref<512x64xf32, #tpu.memory_space<vmem>> -> memref<1x64xf32, #tpu.memory_space<vmem>>
        %dma_wait3A_88 = arith.constant 0 : i32
        %dma_wait3A_89 = arith.constant 0 : i32
        %dma_wait3A_90 = tpu.memref_slice %arg2[%dma_wait3A_88, %dma_wait3A_89] : memref<1000001x64xf32, #tpu.memory_space<hbm>> -> memref<1x64xf32, #tpu.memory_space<hbm>>
        %dma_wait3A_91 = arith.constant 0 : i32
        %dma_wait3A_92 = tpu.memref_slice %arg7[%add3A_86, %dma_wait3A_91] : memref<512x64xf32, #tpu.memory_space<vmem>> -> memref<1x64xf32, #tpu.memory_space<vmem>>
        %dma_wait3A_93 = arith.constant 0 : i32
        %dma_wait3A_94 = arith.constant 0 : i32
        %dma_wait3A_95 = tpu.memref_slice %arg2[%dma_wait3A_93, %dma_wait3A_94] : memref<1000001x64xf32, #tpu.memory_space<hbm>> -> memref<1x64xf32, #tpu.memory_space<hbm>>
        tpu.wait_dma2 semaphore(%arg8 : memref<!tpu.dma_semaphore, #tpu.memory_space<semaphore_mem>>) src(%dma_wait3A_95 : memref<1x64xf32, #tpu.memory_space<hbm>>) dst(%dma_wait3A_92 : memref<1x64xf32, #tpu.memory_space<vmem>>)
      } else {
      }
      %add3A_40 = arith.constant 3 : i32
      %add3A_41 = arith.addi %add3A_16, %add3A_40 : i32
      %get3A_42 = arith.index_cast %add3A_41 : i32 to index
      %get3A_43 = memref.load %arg6[%get3A_42] : memref<512xi32, #tpu.memory_space<smem>>
      %ge3A_44 = arith.constant 0 : i32
      %ge3A_45 = arith.cmpi sge, %get3A_43, %ge3A_44 : i32
      %convert_element_type3A_46 = arith.extui %ge3A_45 : i1 to i32
      %cond3A_47 = arith.constant 0 : i32
      %cond3A_48 = arith.cmpi ne, %convert_element_type3A_46, %cond3A_47 : i32
      scf.if %cond3A_48 {
        %add3A_85 = arith.constant 3 : i32
        %add3A_86 = arith.addi %add3A_16, %add3A_85 : i32
        %dma_wait3A = arith.constant 0 : i32
        %dma_wait3A_87 = tpu.memref_slice %arg7[%add3A_86, %dma_wait3A] : memref<512x64xf32, #tpu.memory_space<vmem>> -> memref<1x64xf32, #tpu.memory_space<vmem>>
        %dma_wait3A_88 = arith.constant 0 : i32
        %dma_wait3A_89 = arith.constant 0 : i32
        %dma_wait3A_90 = tpu.memref_slice %arg2[%dma_wait3A_88, %dma_wait3A_89] : memref<1000001x64xf32, #tpu.memory_space<hbm>> -> memref<1x64xf32, #tpu.memory_space<hbm>>
        %dma_wait3A_91 = arith.constant 0 : i32
        %dma_wait3A_92 = tpu.memref_slice %arg7[%add3A_86, %dma_wait3A_91] : memref<512x64xf32, #tpu.memory_space<vmem>> -> memref<1x64xf32, #tpu.memory_space<vmem>>
        %dma_wait3A_93 = arith.constant 0 : i32
        %dma_wait3A_94 = arith.constant 0 : i32
        %dma_wait3A_95 = tpu.memref_slice %arg2[%dma_wait3A_93, %dma_wait3A_94] : memref<1000001x64xf32, #tpu.memory_space<hbm>> -> memref<1x64xf32, #tpu.memory_space<hbm>>
        tpu.wait_dma2 semaphore(%arg8 : memref<!tpu.dma_semaphore, #tpu.memory_space<semaphore_mem>>) src(%dma_wait3A_95 : memref<1x64xf32, #tpu.memory_space<hbm>>) dst(%dma_wait3A_92 : memref<1x64xf32, #tpu.memory_space<vmem>>)
      } else {
      }
      %add3A_49 = arith.constant 4 : i32
      %add3A_50 = arith.addi %add3A_16, %add3A_49 : i32
      %get3A_51 = arith.index_cast %add3A_50 : i32 to index
      %get3A_52 = memref.load %arg6[%get3A_51] : memref<512xi32, #tpu.memory_space<smem>>
      %ge3A_53 = arith.constant 0 : i32
      %ge3A_54 = arith.cmpi sge, %get3A_52, %ge3A_53 : i32
      %convert_element_type3A_55 = arith.extui %ge3A_54 : i1 to i32
      %cond3A_56 = arith.constant 0 : i32
      %cond3A_57 = arith.cmpi ne, %convert_element_type3A_55, %cond3A_56 : i32
      scf.if %cond3A_57 {
        %add3A_85 = arith.constant 4 : i32
        %add3A_86 = arith.addi %add3A_16, %add3A_85 : i32
        %dma_wait3A = arith.constant 0 : i32
        %dma_wait3A_87 = tpu.memref_slice %arg7[%add3A_86, %dma_wait3A] : memref<512x64xf32, #tpu.memory_space<vmem>> -> memref<1x64xf32, #tpu.memory_space<vmem>>
        %dma_wait3A_88 = arith.constant 0 : i32
        %dma_wait3A_89 = arith.constant 0 : i32
        %dma_wait3A_90 = tpu.memref_slice %arg2[%dma_wait3A_88, %dma_wait3A_89] : memref<1000001x64xf32, #tpu.memory_space<hbm>> -> memref<1x64xf32, #tpu.memory_space<hbm>>
        %dma_wait3A_91 = arith.constant 0 : i32
        %dma_wait3A_92 = tpu.memref_slice %arg7[%add3A_86, %dma_wait3A_91] : memref<512x64xf32, #tpu.memory_space<vmem>> -> memref<1x64xf32, #tpu.memory_space<vmem>>
        %dma_wait3A_93 = arith.constant 0 : i32
        %dma_wait3A_94 = arith.constant 0 : i32
        %dma_wait3A_95 = tpu.memref_slice %arg2[%dma_wait3A_93, %dma_wait3A_94] : memref<1000001x64xf32, #tpu.memory_space<hbm>> -> memref<1x64xf32, #tpu.memory_space<hbm>>
        tpu.wait_dma2 semaphore(%arg8 : memref<!tpu.dma_semaphore, #tpu.memory_space<semaphore_mem>>) src(%dma_wait3A_95 : memref<1x64xf32, #tpu.memory_space<hbm>>) dst(%dma_wait3A_92 : memref<1x64xf32, #tpu.memory_space<vmem>>)
      } else {
      }
      %add3A_58 = arith.constant 5 : i32
      %add3A_59 = arith.addi %add3A_16, %add3A_58 : i32
      %get3A_60 = arith.index_cast %add3A_59 : i32 to index
      %get3A_61 = memref.load %arg6[%get3A_60] : memref<512xi32, #tpu.memory_space<smem>>
      %ge3A_62 = arith.constant 0 : i32
      %ge3A_63 = arith.cmpi sge, %get3A_61, %ge3A_62 : i32
      %convert_element_type3A_64 = arith.extui %ge3A_63 : i1 to i32
      %cond3A_65 = arith.constant 0 : i32
      %cond3A_66 = arith.cmpi ne, %convert_element_type3A_64, %cond3A_65 : i32
      scf.if %cond3A_66 {
        %add3A_85 = arith.constant 5 : i32
        %add3A_86 = arith.addi %add3A_16, %add3A_85 : i32
        %dma_wait3A = arith.constant 0 : i32
        %dma_wait3A_87 = tpu.memref_slice %arg7[%add3A_86, %dma_wait3A] : memref<512x64xf32, #tpu.memory_space<vmem>> -> memref<1x64xf32, #tpu.memory_space<vmem>>
        %dma_wait3A_88 = arith.constant 0 : i32
        %dma_wait3A_89 = arith.constant 0 : i32
        %dma_wait3A_90 = tpu.memref_slice %arg2[%dma_wait3A_88, %dma_wait3A_89] : memref<1000001x64xf32, #tpu.memory_space<hbm>> -> memref<1x64xf32, #tpu.memory_space<hbm>>
        %dma_wait3A_91 = arith.constant 0 : i32
        %dma_wait3A_92 = tpu.memref_slice %arg7[%add3A_86, %dma_wait3A_91] : memref<512x64xf32, #tpu.memory_space<vmem>> -> memref<1x64xf32, #tpu.memory_space<vmem>>
        %dma_wait3A_93 = arith.constant 0 : i32
        %dma_wait3A_94 = arith.constant 0 : i32
        %dma_wait3A_95 = tpu.memref_slice %arg2[%dma_wait3A_93, %dma_wait3A_94] : memref<1000001x64xf32, #tpu.memory_space<hbm>> -> memref<1x64xf32, #tpu.memory_space<hbm>>
        tpu.wait_dma2 semaphore(%arg8 : memref<!tpu.dma_semaphore, #tpu.memory_space<semaphore_mem>>) src(%dma_wait3A_95 : memref<1x64xf32, #tpu.memory_space<hbm>>) dst(%dma_wait3A_92 : memref<1x64xf32, #tpu.memory_space<vmem>>)
      } else {
      }
      %add3A_67 = arith.constant 6 : i32
      %add3A_68 = arith.addi %add3A_16, %add3A_67 : i32
      %get3A_69 = arith.index_cast %add3A_68 : i32 to index
      %get3A_70 = memref.load %arg6[%get3A_69] : memref<512xi32, #tpu.memory_space<smem>>
      %ge3A_71 = arith.constant 0 : i32
      %ge3A_72 = arith.cmpi sge, %get3A_70, %ge3A_71 : i32
      %convert_element_type3A_73 = arith.extui %ge3A_72 : i1 to i32
      %cond3A_74 = arith.constant 0 : i32
      %cond3A_75 = arith.cmpi ne, %convert_element_type3A_73, %cond3A_74 : i32
      scf.if %cond3A_75 {
        %add3A_85 = arith.constant 6 : i32
        %add3A_86 = arith.addi %add3A_16, %add3A_85 : i32
        %dma_wait3A = arith.constant 0 : i32
        %dma_wait3A_87 = tpu.memref_slice %arg7[%add3A_86, %dma_wait3A] : memref<512x64xf32, #tpu.memory_space<vmem>> -> memref<1x64xf32, #tpu.memory_space<vmem>>
        %dma_wait3A_88 = arith.constant 0 : i32
        %dma_wait3A_89 = arith.constant 0 : i32
        %dma_wait3A_90 = tpu.memref_slice %arg2[%dma_wait3A_88, %dma_wait3A_89] : memref<1000001x64xf32, #tpu.memory_space<hbm>> -> memref<1x64xf32, #tpu.memory_space<hbm>>
        %dma_wait3A_91 = arith.constant 0 : i32
        %dma_wait3A_92 = tpu.memref_slice %arg7[%add3A_86, %dma_wait3A_91] : memref<512x64xf32, #tpu.memory_space<vmem>> -> memref<1x64xf32, #tpu.memory_space<vmem>>
        %dma_wait3A_93 = arith.constant 0 : i32
        %dma_wait3A_94 = arith.constant 0 : i32
        %dma_wait3A_95 = tpu.memref_slice %arg2[%dma_wait3A_93, %dma_wait3A_94] : memref<1000001x64xf32, #tpu.memory_space<hbm>> -> memref<1x64xf32, #tpu.memory_space<hbm>>
        tpu.wait_dma2 semaphore(%arg8 : memref<!tpu.dma_semaphore, #tpu.memory_space<semaphore_mem>>) src(%dma_wait3A_95 : memref<1x64xf32, #tpu.memory_space<hbm>>) dst(%dma_wait3A_92 : memref<1x64xf32, #tpu.memory_space<vmem>>)
      } else {
      }
      %add3A_76 = arith.constant 7 : i32
      %add3A_77 = arith.addi %add3A_16, %add3A_76 : i32
      %get3A_78 = arith.index_cast %add3A_77 : i32 to index
      %get3A_79 = memref.load %arg6[%get3A_78] : memref<512xi32, #tpu.memory_space<smem>>
      %ge3A_80 = arith.constant 0 : i32
      %ge3A_81 = arith.cmpi sge, %get3A_79, %ge3A_80 : i32
      %convert_element_type3A_82 = arith.extui %ge3A_81 : i1 to i32
      %cond3A_83 = arith.constant 0 : i32
      %cond3A_84 = arith.cmpi ne, %convert_element_type3A_82, %cond3A_83 : i32
      scf.if %cond3A_84 {
        %add3A_85 = arith.constant 7 : i32
        %add3A_86 = arith.addi %add3A_16, %add3A_85 : i32
        %dma_wait3A = arith.constant 0 : i32
        %dma_wait3A_87 = tpu.memref_slice %arg7[%add3A_86, %dma_wait3A] : memref<512x64xf32, #tpu.memory_space<vmem>> -> memref<1x64xf32, #tpu.memory_space<vmem>>
        %dma_wait3A_88 = arith.constant 0 : i32
        %dma_wait3A_89 = arith.constant 0 : i32
        %dma_wait3A_90 = tpu.memref_slice %arg2[%dma_wait3A_88, %dma_wait3A_89] : memref<1000001x64xf32, #tpu.memory_space<hbm>> -> memref<1x64xf32, #tpu.memory_space<hbm>>
        %dma_wait3A_91 = arith.constant 0 : i32
        %dma_wait3A_92 = tpu.memref_slice %arg7[%add3A_86, %dma_wait3A_91] : memref<512x64xf32, #tpu.memory_space<vmem>> -> memref<1x64xf32, #tpu.memory_space<vmem>>
        %dma_wait3A_93 = arith.constant 0 : i32
        %dma_wait3A_94 = arith.constant 0 : i32
        %dma_wait3A_95 = tpu.memref_slice %arg2[%dma_wait3A_93, %dma_wait3A_94] : memref<1000001x64xf32, #tpu.memory_space<hbm>> -> memref<1x64xf32, #tpu.memory_space<hbm>>
        tpu.wait_dma2 semaphore(%arg8 : memref<!tpu.dma_semaphore, #tpu.memory_space<semaphore_mem>>) src(%dma_wait3A_95 : memref<1x64xf32, #tpu.memory_space<hbm>>) dst(%dma_wait3A_92 : memref<1x64xf32, #tpu.memory_space<vmem>>)
      } else {
      }
    }
    %scan3A_11 = arith.constant 64 : i32
    "tpu.region"() ({
      %run_scoped3A = tpu.sem_alloc : memref<!tpu.dma_semaphore, #tpu.memory_space<semaphore_mem>>
      %dma_start3A = arith.constant 0 : i32
      %dma_start3A_12 = tpu.memref_slice %arg4[%mul3A_2, %dma_start3A] : memref<16384x64xf32, #tpu.memory_space<hbm>> -> memref<512x64xf32, #tpu.memory_space<hbm>>
      %dma_start3A_13 = arith.constant 0 : i32
      %dma_start3A_14 = tpu.memref_slice %arg4[%mul3A_2, %dma_start3A_13] : memref<16384x64xf32, #tpu.memory_space<hbm>> -> memref<512x64xf32, #tpu.memory_space<hbm>>
      tpu.enqueue_dma source(%arg7 : memref<512x64xf32, #tpu.memory_space<vmem>>) target(%dma_start3A_14 : memref<512x64xf32, #tpu.memory_space<hbm>>) target_semaphore(%run_scoped3A : memref<!tpu.dma_semaphore, #tpu.memory_space<semaphore_mem>>)
      %dma_wait3A = arith.constant 0 : i32
      %dma_wait3A_15 = tpu.memref_slice %arg4[%mul3A_2, %dma_wait3A] : memref<16384x64xf32, #tpu.memory_space<hbm>> -> memref<512x64xf32, #tpu.memory_space<hbm>>
      %dma_wait3A_16 = arith.constant 0 : i32
      %dma_wait3A_17 = tpu.memref_slice %arg4[%mul3A_2, %dma_wait3A_16] : memref<16384x64xf32, #tpu.memory_space<hbm>> -> memref<512x64xf32, #tpu.memory_space<hbm>>
      tpu.wait_dma2 semaphore(%run_scoped3A : memref<!tpu.dma_semaphore, #tpu.memory_space<semaphore_mem>>) src(%arg7 : memref<512x64xf32, #tpu.memory_space<vmem>>) dst(%dma_wait3A_17 : memref<512x64xf32, #tpu.memory_space<hbm>>)
      tpu.yield
    }) : () -> ()
    return
  }
}

module attributes {stable_mosaic.version = 14 : i64} {
  func.func @_blend_body(%arg0: i32, %arg1: memref<2048x64xf32, #tpu.memory_space<vmem>>, %arg2: memref<2048x1xf32, #tpu.memory_space<vmem>>, %arg3: memref<2048x1xf32, #tpu.memory_space<vmem>>, %arg4: memref<1x64xf32, #tpu.memory_space<vmem>>, %arg5: memref<1x64xf32, #tpu.memory_space<vmem>>, %arg6: memref<2048x64xf32, #tpu.memory_space<vmem>>) attributes {dimension_semantics = [#tpu.dimension_semantics<arbitrary>], iteration_bounds = array<i64: 8>, scalar_prefetch = 0 : i64, scratch_operands = 0 : i64, tpu.core_type = #tpu.core_type<tc>, window_params = [{transform_indices = @transform_0, window_bounds = array<i64: 2048, 64>}, {transform_indices = @transform_1, window_bounds = array<i64: 2048, 1>}, {transform_indices = @transform_2, window_bounds = array<i64: 2048, 1>}, {pipeline_mode = #tpu.pipeline_mode<synchronous>, transform_indices = @transform_3, window_bounds = array<i64: 1, 64>}, {pipeline_mode = #tpu.pipeline_mode<synchronous>, transform_indices = @transform_4, window_bounds = array<i64: 1, 64>}, {transform_indices = @transform_5, window_bounds = array<i64: 2048, 64>}]} {
    %get3A = arith.constant 0 : index
    %get3A_0 = arith.constant 0 : index
    %get3A_1 = vector.load %arg2[%get3A, %get3A_0] : memref<2048x1xf32, #tpu.memory_space<vmem>>, vector<2048x1xf32>
    %get3A_2 = arith.constant 0 : index
    %get3A_3 = arith.constant 0 : index
    %get3A_4 = vector.load %arg4[%get3A_2, %get3A_3] : memref<1x64xf32, #tpu.memory_space<vmem>>, vector<1x64xf32>
    %mul3A = vector.broadcast %get3A_1 : vector<2048x1xf32> to vector<2048x64xf32>
    %mul3A_5 = vector.broadcast %get3A_4 : vector<1x64xf32> to vector<2048x64xf32>
    %mul3A_6 = arith.mulf %mul3A, %mul3A_5 : vector<2048x64xf32>
    %get3A_7 = arith.constant 0 : index
    %get3A_8 = arith.constant 0 : index
    %get3A_9 = vector.load %arg5[%get3A_7, %get3A_8] : memref<1x64xf32, #tpu.memory_space<vmem>>, vector<1x64xf32>
    %add3A = vector.broadcast %get3A_9 : vector<1x64xf32> to vector<2048x64xf32>
    %add3A_10 = arith.addf %mul3A_6, %add3A : vector<2048x64xf32>
    %get3A_11 = arith.constant 0 : index
    %get3A_12 = arith.constant 0 : index
    %get3A_13 = vector.load %arg3[%get3A_11, %get3A_12] : memref<2048x1xf32, #tpu.memory_space<vmem>>, vector<2048x1xf32>
    %gt3A = arith.constant 5.000000e-01 : f32
    %gt3A_14 = vector.broadcast %gt3A : f32 to vector<2048x1xf32>
    %gt3A_15 = arith.cmpf ogt, %get3A_13, %gt3A_14 : vector<2048x1xf32>
    %get3A_16 = arith.constant 0 : index
    %get3A_17 = arith.constant 0 : index
    %get3A_18 = vector.load %arg1[%get3A_16, %get3A_17] : memref<2048x64xf32, #tpu.memory_space<vmem>>, vector<2048x64xf32>
    %broadcast_in_dim3A = vector.shape_cast %gt3A_15 : vector<2048x1xi1> to vector<2048x1xi1>
    %broadcast_in_dim3A_19 = vector.broadcast %broadcast_in_dim3A : vector<2048x1xi1> to vector<2048x64xi1>
    %select_n3A = arith.select %broadcast_in_dim3A_19, %add3A_10, %get3A_18 : vector<2048x64xi1>, vector<2048x64xf32>
    %swap3A = arith.constant 0 : index
    %swap3A_20 = arith.constant 0 : index
    %swap3A_21 = vector.load %arg6[%swap3A, %swap3A_20] : memref<2048x64xf32, #tpu.memory_space<vmem>>, vector<2048x64xf32>
    tpu.vector_store %arg6[%swap3A, %swap3A_20], %select_n3A {strides = array<i32>} : memref<2048x64xf32, #tpu.memory_space<vmem>>, vector<2048x64xf32>,
    return
  }
  func.func @transform_0(%arg0: i32) -> (i32, i32) {
    %c0_i32 = arith.constant 0 : i32
    %c0_i32_0 = arith.constant 0 : i32
    return %arg0, %c0_i32 : i32, i32
  }
  func.func @transform_1(%arg0: i32) -> (i32, i32) {
    %c0_i32 = arith.constant 0 : i32
    %c0_i32_0 = arith.constant 0 : i32
    return %arg0, %c0_i32 : i32, i32
  }
  func.func @transform_2(%arg0: i32) -> (i32, i32) {
    %c0_i32 = arith.constant 0 : i32
    %c0_i32_0 = arith.constant 0 : i32
    return %arg0, %c0_i32 : i32, i32
  }
  func.func @transform_3(%arg0: i32) -> (i32, i32) {
    %c0_i32 = arith.constant 0 : i32
    %c0_i32_0 = arith.constant 0 : i32
    %c0_i32_1 = arith.constant 0 : i32
    return %c0_i32, %c0_i32_0 : i32, i32
  }
  func.func @transform_4(%arg0: i32) -> (i32, i32) {
    %c0_i32 = arith.constant 0 : i32
    %c0_i32_0 = arith.constant 0 : i32
    %c0_i32_1 = arith.constant 0 : i32
    return %c0_i32, %c0_i32_0 : i32, i32
  }
  func.func @transform_5(%arg0: i32) -> (i32, i32) {
    %c0_i32 = arith.constant 0 : i32
    %c0_i32_0 = arith.constant 0 : i32
    return %arg0, %c0_i32 : i32, i32
  }
}

</mosaic_0001>

<sc_bundles>
// kernel: kernel.4.cloned.1.call-start
scs
__scs_entry_jumppad:
0x0: {  	(pc) =	sbr.rel $0x88, $3  }
0x1: {  	(tag) =	ssettag $0x0;
	lr =	simm.s32 $0x1  }
0x2: {  	[smem:$0x3F9B] =	sst lr;
	_ =	strace $0xD0000000  }
0x3: {  	_ = 	snop  }
0x4: {  	_ = 	snop  }
0x5: {  	_ = 	snop  }
0x6: {  	_ = 	snop  }
0x7: {  	_ = 	snop  }
__scs_overlays_trampoline_lowered:
0x8: {  	[smem:$0x3FAA] =	sst s0  }
0x9: {  	[smem:$0x3FAB] =	sst s1  }
0xa: {  	[smem:$0x3FAC] =	sst s2  }
0xb: {  	[smem:$0x3FAD] =	sst s3  }
0xc: {  	[smem:$0x3FAE] =	sst s4  }
0xd: {  	[smem:$0x3FAF] =	sst s5  }
0xe: {  	[smem:$0x3FB0] =	sst s6  }
0xf: {  	[smem:$0x3FB1] =	sst s7  }
0x10: {  	[smem:$0x3FB2] =	sst s8  }
0x11: {  	[smem:$0x3FB3] =	sst s9;
	s0 =	simm.s32 @!p0 $0x0  }
0x12: {  	s1 =	sld [smem:$0x3F99];
	s0 =	simm.s32 @p0 $0x1  }
0x13: {  	[smem:$0x3FB4] =	sst s0;
	s0 =	simm.s32 @!p1 $0x0  }
0x14: {  	s2 =	sld [smem:$0x3F98];
	s0 =	simm.s32 @p1 $0x1  }
0x15: {  	[smem:$0x3FB5] =	sst s0;
	s0 =	simm.s32 @!p2 $0x0  }
0x16: {  	s3 =	sld [smem:$0x3FDB];
	s0 =	simm.s32 @p2 $0x1  }
0x17: {  	s4 =	simm.s32 $0x1BF5;
	[smem:$0x3FB7] =	sst s0  }
0x18: {  	s0 =	sld [smem:$0x3F9A];
	_ =	swait.ge [sflag:s4], $0x0  }
0x19: {  	s7 =	sld [smem:$0x3F9B]  }
0x1a: {  	s8 =	sadd.s32 $0xFFFFE003, lr  }
0x1b: {  	s9 =	sadd.s32 $0xFFFFFEF7, lr;
	s5 =	simm.s32 $0xFFFFFFFF;
	p2 =	slt.u32 s8, $0xFFFFF086  }
0x1c: {  	p1 =	slt.u32 s9, $0xF7A;
	s5 =	simm.s32 @!p2 $0x0  }
0x1d: {  	s5 =	simm.s32 @p1 $0x1;
	p0 =	seq.s32 s7, s2  }
0x1e: {  	s7 =	smul.u32 @!p0 $0xF7A, s2;
	p2 =	seq.s32 @!p0 s5, $0x0  }
0x1f: {  	s9 =	smul.u32 $0xF7A, s1;
	s8 =	simm.s32 @!p0 $0x1BF5;
	p2 =	por !p2, p0  }
0x20: {  	[sflag:s8] =	ssyncset.s32 @!p0 $0xFFFFF086;
	s6 =	sadd.s32 @!p0 s3, s7;
	s7 =	simm.s32 @!p0 $0x108  }
0x21: {  	s3 =	sadd.s32 s3, s9;
	s6 =	sadd.s32 @!p0 $0x88, s6;
	s7 =	simm.s32 @p2 $0x1082  }
0x22: {  	[simem:s7], [sflag:s8] =	dma.local @!p0 [hbm:s6], $0xF7A  }
0x23: {  	s9 =	sor.u32 $0xD0000000, s2;
	s6 =	simm.s32 $0x108;
	_ =	swait.ge @!p0 [sflag:s8], $0x0  }
0x24: {  	s3 =	sadd.s32 $0x88, s3;
	s6 =	simm.s32 @!p1 $0x1082;
	[sflag:s4] =	ssyncset.s32 $0xFFFFF086  }
0x25: {  	[simem:s6], [sflag:s4] =	dma.local [hbm:s3], $0xF7A  }
0x26: {  	[smem:$0x3F9B] =	sst s1;
	(tag) =	ssettag s2;
	_ =	strace s9  }
0x27: {  	s1 =	sld [smem:$0x3FAB]  }
0x28: {  	s2 =	sld [smem:$0x3FAC]  }
0x29: {  	s4 =	sld [smem:$0x3FAE]  }
0x2a: {  	p0 =	seq.s32 s5, $0x0;
	s5 =	sld [smem:$0x3FAF]  }
0x2b: {  	s6 =	sld [smem:$0x3FB0]  }
0x2c: {  	s7 =	sld [smem:$0x3FB1]  }
0x2d: {  	s3 =	simm.s32 $0x108;
	s8 =	sld [smem:$0x3FB2]  }
0x2e: {  	s3 =	simm.s32 @!p0 $0x1082;
	s9 =	sld [smem:$0x3FB3]  }
0x2f: {  	lr =	sadd.s32 s0, s3;
	s0 =	sld [smem:$0x3FAA]  }
0x30: {  	s3 =	sld [smem:$0x3FAD]  }
0x31: {  	[smem:$0x3FB6] =	sst s10  }
0x32: {  	s10 =	sld [smem:$0x3FB4];
	_ =	sdelay $0x3  }
0x33: {  	p0 =	seq.s32 s10, $0x1;
	s10 =	sld [smem:$0x3FB6];
	_ =	sdelay $0x3  }
0x34: {  	[smem:$0x3FB6] =	sst s10  }
0x35: {  	s10 =	sld [smem:$0x3FB5];
	_ =	sdelay $0x3  }
0x36: {  	p1 =	seq.s32 s10, $0x1;
	s10 =	sld [smem:$0x3FB6];
	_ =	sdelay $0x3  }
0x37: {  	[smem:$0x3FB6] =	sst s10  }
0x38: {  	s10 =	sld [smem:$0x3FB7]  }
0x39: {  	_ = 	snop;
	(pc) =	sbr.ind lr, $3  }
0x3a: {  	_ = 	snop  }
0x3b: {  	_ = 	snop  }
0x3c: {  	p2 =	seq.s32 s10, $0x1;
	s10 =	sld [smem:$0x3FB6]  }
0x3d: {  	_ =	shalt  }
0x3e: {  	_ =	shalt  }
0x3f: {  	_ =	shalt  }
0x40: {  	_ =	shalt  }
0x41: {  	_ =	shalt  }
0x42: {  	_ =	shalt  }
0x43: {  	_ =	shalt  }
0x44: {  	_ =	shalt  }
0x45: {  	_ =	shalt  }
0x46: {  	_ =	shalt  }
0x47: {  	_ =	shalt  }
0x48: {  	_ =	shalt  }
0x49: {  	_ =	shalt  }
0x4a: {  	_ =	shalt  }
0x4b: {  	_ =	shalt  }
0x4c: {  	_ =	shalt  }
0x4d: {  	_ =	shalt  }
0x4e: {  	_ =	shalt  }
0x4f: {  	_ =	shalt  }
0x50: {  	_ =	shalt  }
0x51: {  	_ =	shalt  }
0x52: {  	_ =	shalt  }
0x53: {  	_ =	shalt  }
0x54: {  	_ =	shalt  }
0x55: {  	_ =	shalt  }
0x56: {  	_ =	shalt  }
0x57: {  	_ =	shalt  }
0x58: {  	_ =	shalt  }
0x59: {  	_ =	shalt  }
0x5a: {  	_ =	shalt  }
0x5b: {  	_ =	shalt  }
0x5c: {  	_ =	shalt  }
0x5d: {  	_ =	shalt  }
0x5e: {  	_ =	shalt  }
0x5f: {  	_ =	shalt  }
0x60: {  	_ =	shalt  }
0x61: {  	_ =	shalt  }
0x62: {  	_ =	shalt  }
0x63: {  	_ =	shalt  }
0x64: {  	_ =	shalt  }
0x65: {  	_ =	shalt  }
0x66: {  	_ =	shalt  }
0x67: {  	_ =	shalt  }
0x68: {  	_ =	shalt  }
0x69: {  	_ =	shalt  }
0x6a: {  	_ =	shalt  }
0x6b: {  	_ =	shalt  }
0x6c: {  	_ =	shalt  }
0x6d: {  	_ =	shalt  }
0x6e: {  	_ =	shalt  }
0x6f: {  	_ =	shalt  }
0x70: {  	_ =	shalt  }
0x71: {  	_ =	shalt  }
0x72: {  	_ =	shalt  }
0x73: {  	_ =	shalt  }
0x74: {  	_ =	shalt  }
0x75: {  	_ =	shalt  }
0x76: {  	_ =	shalt  }
0x77: {  	_ =	shalt  }
0x78: {  	_ =	shalt  }
0x79: {  	_ =	shalt  }
0x7a: {  	_ =	shalt  }
0x7b: {  	_ =	shalt  }
0x7c: {  	_ =	shalt  }
0x7d: {  	_ =	shalt  }
0x7e: {  	_ =	shalt  }
0x7f: {  	_ =	shalt  }
0x80: {  	_ =	shalt  }
0x81: {  	_ =	shalt  }
0x82: {  	_ =	shalt  }
0x83: {  	_ =	shalt  }
0x84: {  	_ =	shalt  }
0x85: {  	_ =	shalt  }
0x86: {  	_ =	shalt  }
0x87: {  	_ =	shalt  }
.Lfunc_end0:
.L_simem_size_0:
called_computation_lowered:
.L_overlay_start_0:
0x88: {  	s2 =	sld [smem:$0x3FD9]  }
0x89: {  	s3 =	sld [smem:$0x3FFE];
	_ =	sdelay $0x1  }
0x8a: {  	s1 =	srdreg.scid  }
0x8b: {  	s0 =	sand.u32 $0x1, s1  }
0x8c: {  	s17 =	sshll.u32 s0, $0xA;
	s2 =	sadd.s32 s3, s2  }
0x8d: {  	s2 =	sadd.s32 s2, s17  }
0x8e: {  	[smem:$0x3FC2] =	sst s2  }
0x8f: {  	_ = 	snop  }
0x90: {  	s2 =	sld [smem:$0x3FD0];
	(tm) =	ssettm $0x1  }
0x91: {  	s18 =	sld [smem:$0x3FFB];
	_ =	sdelay $0x3  }
0x92: {  	_ =	strace s18  }
0x93: {  	s3 =	sld [smem:$0x3FFC];
	_ =	sdelay $0x3  }
0x94: {  	_ =	strace s3  }
0x95: {  	s3 =	sld [smem:$0x3FFD];
	_ =	sdelay $0x3  }
0x96: {  	_ =	strace s3  }
0x97: {  	_ =	strace $0x8FFFFFFF  }
0x98: {  	s19 =	sld [smem:$0x3FDB];
	_ =	sdelay $0x1  }
0x99: {  	s4 =	simm.s32 $_scs_section_size  }
0x9a: {  	s5 =	simm.s32 $_size__tile_overlayer_lowered;
	s6 =	simm.s32 $_tile_overlayer_lowered  }
0x9b: {  	s22 =	simm.s32 $0x1BFF;
	s21 =	sshll.u32 s6, $0x1;
	s3 =	sadd.s32 s4, s19  }
0x9c: {  	s7 =	simm.s32 $0x0;
	s20 =	sshll.u32 s5, $0x1;
	s5 =	sadd.s32 s21, s3  }
0x9d: {  	[timem:s7], [sflag:s22] =	dma.local [hbm:s5], s20  }
0x9e: {  	_ =	swait.ge [sflag:s22], s20  }
0x9f: {  	s4 =	ssub.s32 $0x0, s20;
	[sflag:s22] =	ssyncset.done $0x0  }
0xa0: {  	[sflag:s22] =	ssyncadd.s32 s4;
	_ =	sdelay $0x1  }
0xa1: {  	s23 =	simm.s32 $0x1B8B  }
0xa2: {  	_ =	swait.ge [sflag:s23], $0x1  }
0xa3: {  	[sflag:s23] =	ssyncset.done $0x0  }
0xa4: {  	s25 =	simm.s32 $0x1B8E;
	s24 =	sld [smem:$0x3FFE];
	[sflag:s23] =	ssyncadd.s32 $0xFFFFFFFF  }
0xa5: {  	s26 =	simm.s32 $execute0_lowered;
	[smem:$0x3FD2] =	sst s25  }
0xa6: {  	s5 =	sshll.u32 s26, $0x1;
	_ =	strace $0x80000046;
	[dreg:$0x1] =	wrdreg $0xFFFFFFFF  }
0xa7: {  	s28 =	simm.s32 $_size_execute0_lowered;
	s3 =	sadd.s32 s3, s5;
	[dreg:$0x0] =	wrdreg $0x0  }
0xa8: {  	s5 =	sshll.u32 s28, $0x1;
	[dreg:$0x2] =	wrdreg s3  }
0xa9: {  	[dreg:$0x3] =	wrdreg s5  }
0xaa: {  	[dreg:$0x4] =	wrdreg $0xC0  }
0xab: {  	_ =	task [dreg:s7], $0x5FFFF  }
0xac: {  	[dreg:$0x1] =	wrdreg $0xFFFFFFFF  }
0xad: {  	[dreg:$0x0] =	wrdreg $0x60  }
0xae: {  	[dreg:$0x2] =	wrdreg s24  }
0xaf: {  	[dreg:$0x3] =	wrdreg s2  }
0xb0: {  	[dreg:$0x4] =	wrdreg $0x0  }
0xb1: {  	[dreg:$0x5] =	wrdreg $0x9  }
0xb2: {  	_ =	task.clear_ibuf [dreg:s7], $0x6FFFF;
	_ =	strace $0x90000046  }
0xb3: {  	s29 =	simm.s32 $0x9;
	_ =	strace $0x80000048  }
0xb4: {  	_ =	swait.ge [sflag:s29], $0x1  }
0xb5: {  	[sflag:s29] =	ssyncadd.s32 $0xFFFFFFFF  }
0xb6: {  	_ =	strace $0x90000048  }
0xb7: {  	_ =	sfence  }
0xb8: {  	s30 =	sld [smem:$0x0];
	_ =	sdelay $0x2  }
0xb9: {  	s31 =	sshll.u32 s1, $0xD;
	s1 =	sshrl.u32 s1, $0x2  }
0xba: {  	s3 =	sand.u32 $0x4000, s31;
	s1 =	sadd.s32 s1, s30  }
0xbb: {  	s0 =	sor.u32 s3, s0;
	s1 =	sshll.u32 s1, $0x11  }
0xbc: {  	s0 =	sor.u32 s1, s0  }
0xbd: {  	s0 =	sadd.s32 $0x8F2B, s0  }
0xbe: {  	[sflag:s0] =	ssyncadd.remote.s32 $0x1  }
0xbf: {  	_ =	sfence.sel $0xFFFF  }
0xc0: {  	[dreg:$0x0] =	wrdreg $0xFFFFFFFF;
	(pc) =	sbr.abs _section_cstart, $3  }
0xc1: {  	[dreg:$0x1] =	wrdreg $0xFFFFFFFF  }
0xc2: {  	_ =	task.clear_ibuf [dreg:s7], $0x2FFFF;
	_ =	strace $0x9FFFFFFF  }
0xc3: {  	(tm) =	ssettm $0x7FFFFFFF  }
tec
execute0_lowered:
.L_overlay_start_1:
0x0: {  	(tag) =	ssettag $0x1  }
0x1: {  	s4 =	rddreg [dreg:$0x0]  }
0x2: {  	s5 =	rddreg [dreg:$0x1]  }
0x3: {  	s6 =	rddreg [dreg:$0x2];
	s2 =	srdreg.scid  }
0x4: {  	s0 =	rddreg [dreg:$0x3];
	s1 =	stileid.u32  }
0x5: {  	s12 =	simm.s32 $0x0;
	s3 =	sand.u32 $0x1, s2;
	s2 =	simm.s32 $0x0  }
0x6: {  	s7 =	sshll.u32 s1, $0xA;
	s11 =	sshll.u32 s1, $0x6;
	s8 =	sshll.u32 s3, $0x9  }
0x7: {  	[smem:$0x7FF] =	sst s2;
	s9 =	ssub.s32 $0x2, s3;
	s3 =	sadd.s32 $0x1200, s4  }
0x8: {  	s7 =	sor.u32 s8, s7;
	_ =	strace $0x80000047;
	s31 =	sshrl.u32 s9, $0x1  }
0x9: {  	s8 =	sshll.u32 s7, $0x4;
	s9 =	ssub.s32 s9, s31;
	s10 =	sshrl.u32 s7, $0x3  }
0xa: {  	s8 =	sadd.s32 s8, s4;
	s4 =	sadd.s32 s7, s6;
	s5 =	sadd.s32 s5, s10  }
0xb: {  	s6 =	sor.u32 $0x1C02, s11;
	s10 =	simm.s32 $0x2;
	s11 =	simm.s32 $0x400  }
0xc: {  	s7 =	sadd.s32 $0xF43800, s8;
	s8 =	smax.u32 s9, $0x1;
	s9 =	sshrl.u32 s4, $0x3  }
.LBB2_1:
0xd: {  	[spmem:s9], [sflag:s6] =	dma.local [hbm:s5], $0x40  }
0xe: {  	_ =	swait.ge [sflag:s10], $0x40  }
0xf: {  	[sflag:s10] =	ssyncset.done $0x0  }
0x10: {  	[sflag:s10] =	ssyncadd.s32 $0xFFFFFFC0  }
0x11: {  	[smem:s2], [sflag:$0x2] =	stream.linear.gather [spmem:s4], $0x200, $0x38;
	[tilespmem:$0x10400] =	vst v63  }
0x12: {  	_ =	swait.ge [sflag:s10], $0x200  }
0x13: {  	[sflag:s10] =	ssyncset.done $0x0  }
0x14: {  	[sflag:s10] =	ssyncadd.s32 $0xFFFFFE00  }
0x15: {  	s15 =	sld [smem:$0x6]  }
0x16: {  	s17 =	sld [smem:$0x5]  }
0x17: {  	s18 =	sld [smem:$0x2]  }
0x18: {  	s13 =	simm.s32 $0x1000;
	s19 =	sld [smem:$0x0]  }
0x19: {  	s14 =	simm.s32 $0xC;
	p0 =	slt.s32 s15, $0x0;
	s20 =	sld [smem:$0x4]  }
0x1a: {  	s16 =	sshll.u32 @!p0 s15, $0x4;
	s15 =	simm.s32 @!p0 $0x700;
	s21 =	sld [smem:$0x1]  }
0x1b: {  	s16 =	sand.u32 @!p0 $0x1FFFFFF0, s16;
	p4 =	slt.s32 s18, $0x0;
	p2 =	slt.s32 s19, $0x0  }
0x1c: {  	s22 =	sld [smem:$0x3];
	s16 =	sadd.s32 @!p0 s3, s16;
	s18 =	sshll.u32 @!p4 s18, $0x4  }
0x1d: {  	s19 =	sshll.u32 @!p2 s19, $0x4;
	p1 =	slt.s32 s20, $0x0;
	s23 =	simm.s32 @!p2 $0x400  }
0x1e: {  	s24 =	simm.s32 @!p2 $0x0;
	s18 =	sand.u32 @!p4 $0x1FFFFFF0, s18;
	s19 =	sand.u32 @!p2 $0x1FFFFFF0, s19  }
0x1f: {  	p3 =	slt.s32 s21, $0x0;
	s18 =	sadd.s32 @!p4 s3, s18;
	s19 =	sadd.s32 @!p2 s3, s19  }
0x20: {  	s21 =	sshll.u32 @!p3 s21, $0x4;
	s25 =	simm.s32 @!p3 $0x480;
	s26 =	simm.s32 @!p3 $0x0  }
0x21: {  	[tilespmem:s23], [sflag:$0x1] =	stream.linear.gather @!p2 [hbm4b:s19+s24], $0x80, $0x38;
	[tilespmem:$0x10400] =	vst v63  }
0x22: {  	s21 =	sand.u32 @!p3 $0x1FFFFFF0, s21;
	s19 =	simm.s32 @!p4 $0x500;
	p2 =	slt.s32 s22, $0x0  }
0x23: {  	s23 =	simm.s32 @!p4 $0x0;
	s21 =	sadd.s32 @!p3 s3, s21;
	s22 =	sshll.u32 @!p2 s22, $0x4  }
0x24: {  	[tilespmem:s25], [sflag:$0x1] =	stream.linear.gather @!p3 [hbm4b:s21+s26], $0x80, $0x38;
	[tilespmem:$0x10400] =	vst v63  }
0x25: {  	s24 =	simm.s32 @!p2 $0x0;
	s22 =	sand.u32 @!p2 $0x1FFFFFF0, s22;
	p3 =	slt.s32 s17, $0x0  }
0x26: {  	[tilespmem:s19], [sflag:$0x1] =	stream.linear.gather @!p4 [hbm4b:s18+s23], $0x80, $0x38;
	[tilespmem:$0x10400] =	vst v63  }
0x27: {  	s21 =	simm.s32 @!p2 $0x580;
	s17 =	sshll.u32 @!p3 s17, $0x4;
	s18 =	sadd.s32 @!p2 s3, s22  }
0x28: {  	s19 =	sshll.u32 @!p1 s20, $0x4;
	s20 =	simm.s32 @!p1 $0x600;
	s23 =	sand.u32 @!p3 $0x1FFFFFF0, s17  }
0x29: {  	s17 =	simm.s32 $0x0;
	s22 =	sand.u32 @!p1 $0x1FFFFFF0, s19;
	s19 =	sld [smem:$0x7]  }
0x2a: {  	[tilespmem:s21], [sflag:$0x1] =	stream.linear.gather @!p2 [hbm4b:s18+s24], $0x80, $0x38;
	[tilespmem:$0x10400] =	vst v63  }
0x2b: {  	s24 =	simm.s32 @!p3 $0x0;
	s21 =	sadd.s32 @!p1 s3, s22;
	s22 =	simm.s32 @!p1 $0x0  }
.LBB2_2:
0x2c: {  	s24 =	sadd.s32 @!p3 $0x680, s24;
	s23 =	sadd.s32 @!p3 s3, s23  }
0x2d: {  	s25 =	simm.s32 @!p3 $0x0;
	s26 =	smov.u32 s13;
	s18 =	smov.u32 s14  }
0x2e: {  	[tilespmem:s20], [sflag:$0x1] =	stream.linear.gather @!p1 [hbm4b:s21+s22], $0x80, $0x38;
	[tilespmem:$0x10400] =	vst v63  }
0x2f: {  	s13 =	sadd.s32 $0x1000, s13;
	s20 =	simm.s32 @!p0 $0x0;
	p1 =	slt.s32 s19, $0x0  }
0x30: {  	[tilespmem:s24], [sflag:$0x1] =	stream.linear.gather @!p3 [hbm4b:s23+s25], $0x80, $0x38;
	[tilespmem:$0x10400] =	vst v63  }
0x31: {  	p2 =	sne.s32 s13, $0x40000;
	s17 =	sshra.s32 @!p1 s17, $0x2;
	s19 =	sshll.u32 @!p1 s19, $0x4  }
0x32: {  	[tilespmem:s15], [sflag:$0x1] =	stream.linear.gather @!p0 [hbm4b:s16+s20], $0x80, $0x38;
	[tilespmem:$0x10400] =	vst v63  }
0x33: {  	s15 =	sadd.s32 @!p1 $0x780, s17;
	s16 =	sand.u32 @!p1 $0x1FFFFFF0, s19;
	s19 =	simm.s32 @!p1 $0x0  }
0x34: {  	s17 =	smov.u32 s26;
	s16 =	sadd.s32 @!p1 s3, s16;
	s20 =	sld [smem:s14+$0x2]  }
0x35: {  	[tilespmem:s15], [sflag:$0x1] =	stream.linear.gather @!p1 [hbm4b:s16+s19], $0x80, $0x38;
	[tilespmem:$0x10400] =	vst v63  }
0x36: {  	s19 =	sld [smem:s14+$0x1]  }
0x37: {  	s21 =	sld [smem:s14+$0xFFFFFFFE]  }
0x38: {  	p0 =	slt.s32 s20, $0x0;
	s14 =	sadd.s32 $0x8, s14;
	s22 =	sld [smem:s18+$0xFFFFFFFC]  }
0x39: {  	s15 =	sshra.s32 @!p0 s17, $0x2;
	s16 =	sshll.u32 @!p0 s20, $0x4;
	s23 =	sld [smem:s18+$0x0]  }
0x3a: {  	s15 =	sadd.s32 @!p0 $0x700, s15;
	s16 =	sand.u32 @!p0 $0x1FFFFFF0, s16;
	s20 =	sld [smem:s18+$0xFFFFFFFD]  }
0x3b: {  	s16 =	sadd.s32 @!p0 s3, s16;
	p3 =	slt.s32 s22, $0x0;
	s24 =	sld [smem:s18+$0xFFFFFFFF]  }
0x3c: {  	s25 =	sshra.s32 @!p3 s17, $0x2;
	s22 =	sshll.u32 @!p3 s22, $0x4;
	p1 =	slt.s32 s23, $0x0  }
0x3d: {  	s25 =	sadd.s32 @!p3 $0x400, s25;
	s22 =	sand.u32 @!p3 $0x1FFFFFF0, s22;
	p5 =	slt.s32 s20, $0x0  }
0x3e: {  	s26 =	simm.s32 @!p3 $0x0;
	s22 =	sadd.s32 @!p3 s3, s22;
	s20 =	sshll.u32 @!p5 s20, $0x4  }
0x3f: {  	p6 =	slt.s32 s21, $0x0;
	s28 =	sshra.s32 @!p5 s17, $0x2;
	s20 =	sand.u32 @!p5 $0x1FFFFFF0, s20  }
0x40: {  	s29 =	sshra.s32 @!p6 s17, $0x2;
	s28 =	sadd.s32 @!p5 $0x480, s28;
	s20 =	sadd.s32 @!p5 s3, s20  }
0x41: {  	s21 =	sshll.u32 @!p6 s21, $0x4;
	s29 =	sadd.s32 @!p6 $0x500, s29;
	s30 =	simm.s32 @!p5 $0x0  }
0x42: {  	[tilespmem:s25], [sflag:$0x1] =	stream.linear.gather @!p3 [hbm4b:s22+s26], $0x80, $0x38;
	[tilespmem:$0x10400] =	vst v63  }
0x43: {  	s21 =	sand.u32 @!p6 $0x1FFFFFF0, s21;
	p4 =	slt.s32 s24, $0x0;
	s22 =	simm.s32 @!p6 $0x0  }
0x44: {  	s21 =	sadd.s32 @!p6 s3, s21;
	s24 =	sshll.u32 @!p4 s24, $0x4;
	s25 =	sshra.s32 @!p4 s17, $0x2  }
0x45: {  	[tilespmem:s28], [sflag:$0x1] =	stream.linear.gather @!p5 [hbm4b:s20+s30], $0x80, $0x38;
	[tilespmem:$0x10400] =	vst v63  }
0x46: {  	s20 =	sand.u32 @!p4 $0x1FFFFFF0, s24  }
0x47: {  	s26 =	simm.s32 @!p4 $0x0;
	s25 =	sadd.s32 @!p4 $0x580, s25;
	s28 =	sadd.s32 @!p4 s3, s20  }
0x48: {  	[tilespmem:s29], [sflag:$0x1] =	stream.linear.gather @!p6 [hbm4b:s21+s22], $0x80, $0x38;
	[tilespmem:$0x10400] =	vst v63  }
.Ltmp0:
0x49: {  	s20 =	sshra.s32 @!p1 s17, $0x2;
	s21 =	sshll.u32 @!p1 s23, $0x4;
	(pc) =	sbr.rel @p2 .LBB2_2-.Ltmp0, $4  }
0x4a: {  	p3 =	slt.s32 s19, $0x0;
	s20 =	sadd.s32 @!p1 $0x600, s20;
	s21 =	sand.u32 @!p1 $0x1FFFFFF0, s21  }
0x4b: {  	s19 =	sshll.u32 @!p3 s19, $0x4;
	s22 =	simm.s32 @!p1 $0x0;
	s21 =	sadd.s32 @!p1 s3, s21  }
0x4c: {  	s24 =	sshra.s32 @!p3 s17, $0x2;
	s23 =	sand.u32 @!p3 $0x1FFFFFF0, s19;
	s19 =	sld [smem:s18+$0x3]  }
0x4d: {  	[tilespmem:s25], [sflag:$0x1] =	stream.linear.gather @!p4 [hbm4b:s28+s26], $0x80, $0x38;
	[tilespmem:$0x10400] =	vst v63  }
0x4e: {  	s13 =	sadd.s32 @!p3 $0x680, s24  }
0x4f: {  	[tilespmem:s20], [sflag:$0x1] =	stream.linear.gather @!p1 [hbm4b:s21+s22], $0x80, $0x38;
	[tilespmem:$0x10400] =	vst v63  }
0x50: {  	s14 =	sadd.s32 @!p3 s3, s23;
	s18 =	simm.s32 @!p3 $0x0;
	p1 =	slt.s32 s19, $0x0  }
0x51: {  	[tilespmem:s13], [sflag:$0x1] =	stream.linear.gather @!p3 [hbm4b:s14+s18], $0x80, $0x38;
	[tilespmem:$0x10400] =	vst v63  }
0x52: {  	s13 =	simm.s32 @!p0 $0x0;
	s14 =	sshll.u32 @!p1 s19, $0x4  }
0x53: {  	[tilespmem:s15], [sflag:$0x1] =	stream.linear.gather @!p0 [hbm4b:s16+s13], $0x80, $0x38;
	[tilespmem:$0x10400] =	vst v63  }
0x54: {  	s14 =	sand.u32 @!p1 $0x1FFFFFF0, s14;
	s13 =	sshra.s32 @!p1 s17, $0x2  }
0x55: {  	s15 =	simm.s32 @!p1 $0x0;
	s14 =	sadd.s32 @!p1 s3, s14;
	s13 =	sadd.s32 @!p1 $0x780, s13  }
0x56: {  	[tilespmem:s13], [sflag:$0x1] =	stream.linear.gather @!p1 [hbm4b:s14+s15], $0x80, $0x38;
	[tilespmem:$0x10400] =	vst v63  }
0x57: {  	s13 =	sld [smem:$0x0];
	_ =	sdelay $0x2  }
0x58: {  	p0 =	slt.s32 s13, $0x0  }
0x59: {  	s13 =	simm.s32 @!p0 $0x1  }
0x5a: {  	_ =	swait.ge @!p0 [sflag:s13], $0x80  }
0x5b: {  	[sflag:s13] =	ssyncset.done @!p0 $0x0  }
0x5c: {  	[sflag:s13] =	ssyncadd.s32 @!p0 $0xFFFFFF80  }
0x5d: {  	s13 =	sld [smem:$0x1];
	_ =	sdelay $0x2  }
0x5e: {  	p0 =	slt.s32 s13, $0x0  }
0x5f: {  	s13 =	simm.s32 @!p0 $0x1  }
0x60: {  	_ =	swait.ge @!p0 [sflag:s13], $0x80  }
0x61: {  	[sflag:s13] =	ssyncset.done @!p0 $0x0  }
0x62: {  	[sflag:s13] =	ssyncadd.s32 @!p0 $0xFFFFFF80  }
0x63: {  	s13 =	sld [smem:$0x2];
	_ =	sdelay $0x2  }
0x64: {  	p0 =	slt.s32 s13, $0x0  }
0x65: {  	s13 =	simm.s32 @!p0 $0x1  }
0x66: {  	_ =	swait.ge @!p0 [sflag:s13], $0x80  }
0x67: {  	[sflag:s13] =	ssyncset.done @!p0 $0x0  }
0x68: {  	[sflag:s13] =	ssyncadd.s32 @!p0 $0xFFFFFF80  }
0x69: {  	s13 =	sld [smem:$0x3];
	_ =	sdelay $0x2  }
0x6a: {  	p0 =	slt.s32 s13, $0x0  }
0x6b: {  	s13 =	simm.s32 @!p0 $0x1  }
0x6c: {  	_ =	swait.ge @!p0 [sflag:s13], $0x80  }
0x6d: {  	[sflag:s13] =	ssyncset.done @!p0 $0x0  }
0x6e: {  	[sflag:s13] =	ssyncadd.s32 @!p0 $0xFFFFFF80  }
0x6f: {  	s13 =	sld [smem:$0x4];
	_ =	sdelay $0x2  }
0x70: {  	p0 =	slt.s32 s13, $0x0  }
0x71: {  	s13 =	simm.s32 @!p0 $0x1  }
0x72: {  	_ =	swait.ge @!p0 [sflag:s13], $0x80  }
0x73: {  	[sflag:s13] =	ssyncset.done @!p0 $0x0  }
0x74: {  	[sflag:s13] =	ssyncadd.s32 @!p0 $0xFFFFFF80  }
0x75: {  	s13 =	sld [smem:$0x5];
	_ =	sdelay $0x2  }
0x76: {  	p0 =	slt.s32 s13, $0x0  }
0x77: {  	s13 =	simm.s32 @!p0 $0x1  }
0x78: {  	_ =	swait.ge @!p0 [sflag:s13], $0x80  }
0x79: {  	[sflag:s13] =	ssyncset.done @!p0 $0x0  }
0x7a: {  	[sflag:s13] =	ssyncadd.s32 @!p0 $0xFFFFFF80  }
0x7b: {  	s13 =	sld [smem:$0x6];
	_ =	sdelay $0x2  }
0x7c: {  	p0 =	slt.s32 s13, $0x0  }
0x7d: {  	s13 =	simm.s32 @!p0 $0x1  }
0x7e: {  	_ =	swait.ge @!p0 [sflag:s13], $0x80  }
0x7f: {  	[sflag:s13] =	ssyncset.done @!p0 $0x0  }
0x80: {  	[sflag:s13] =	ssyncadd.s32 @!p0 $0xFFFFFF80  }
0x81: {  	s13 =	sld [smem:$0x7];
	_ =	sdelay $0x2  }
0x82: {  	p1 =	slt.s32 s13, $0x0  }
0x83: {  	s16 =	simm.s32 @!p1 $0x1  }
0x84: {  	_ =	swait.ge @!p1 [sflag:s16], $0x80  }
0x85: {  	s14 =	simm.s32 $0x40;
	s13 =	simm.s32 $0x20;
	[sflag:s16] =	ssyncset.done @!p1 $0x0  }
.LBB2_4:
0x86: {  	s15 =	sshra.s32 s13, $0x2  }
0x87: {  	[sflag:s16] =	ssyncadd.s32 @!p1 $0xFFFFFF80;
	s13 =	smov.u32 s14;
	s14 =	sadd.s32 $0x20, s14  }
0x88: {  	p0 =	sne.s32 s14, $0x800;
	s16 =	sld [smem:s15+$0x0];
	_ =	sdelay $0x2  }
0x89: {  	p1 =	slt.s32 s16, $0x0  }
0x8a: {  	s16 =	simm.s32 @!p1 $0x1  }
0x8b: {  	_ =	swait.ge @!p1 [sflag:s16], $0x80  }
0x8c: {  	[sflag:s16] =	ssyncset.done @!p1 $0x0  }
0x8d: {  	[sflag:s16] =	ssyncadd.s32 @!p1 $0xFFFFFF80  }
0x8e: {  	s16 =	sld [smem:s15+$0x1];
	_ =	sdelay $0x2  }
0x8f: {  	p1 =	slt.s32 s16, $0x0  }
0x90: {  	s16 =	simm.s32 @!p1 $0x1  }
0x91: {  	_ =	swait.ge @!p1 [sflag:s16], $0x80  }
0x92: {  	[sflag:s16] =	ssyncset.done @!p1 $0x0  }
0x93: {  	[sflag:s16] =	ssyncadd.s32 @!p1 $0xFFFFFF80  }
0x94: {  	s16 =	sld [smem:s15+$0x2];
	_ =	sdelay $0x2  }
0x95: {  	p1 =	slt.s32 s16, $0x0  }
0x96: {  	s16 =	simm.s32 @!p1 $0x1  }
0x97: {  	_ =	swait.ge @!p1 [sflag:s16], $0x80  }
0x98: {  	[sflag:s16] =	ssyncset.done @!p1 $0x0  }
0x99: {  	[sflag:s16] =	ssyncadd.s32 @!p1 $0xFFFFFF80  }
0x9a: {  	s16 =	sld [smem:s15+$0x3];
	_ =	sdelay $0x2  }
0x9b: {  	p1 =	slt.s32 s16, $0x0  }
0x9c: {  	s16 =	simm.s32 @!p1 $0x1  }
0x9d: {  	_ =	swait.ge @!p1 [sflag:s16], $0x80  }
0x9e: {  	[sflag:s16] =	ssyncset.done @!p1 $0x0  }
0x9f: {  	[sflag:s16] =	ssyncadd.s32 @!p1 $0xFFFFFF80  }
0xa0: {  	s16 =	sld [smem:s15+$0x4];
	_ =	sdelay $0x2  }
0xa1: {  	p1 =	slt.s32 s16, $0x0  }
0xa2: {  	s16 =	simm.s32 @!p1 $0x1  }
0xa3: {  	_ =	swait.ge @!p1 [sflag:s16], $0x80  }
0xa4: {  	[sflag:s16] =	ssyncset.done @!p1 $0x0  }
0xa5: {  	[sflag:s16] =	ssyncadd.s32 @!p1 $0xFFFFFF80  }
0xa6: {  	s16 =	sld [smem:s15+$0x5];
	_ =	sdelay $0x2  }
0xa7: {  	p1 =	slt.s32 s16, $0x0  }
0xa8: {  	s16 =	simm.s32 @!p1 $0x1  }
0xa9: {  	_ =	swait.ge @!p1 [sflag:s16], $0x80  }
0xaa: {  	[sflag:s16] =	ssyncset.done @!p1 $0x0  }
0xab: {  	[sflag:s16] =	ssyncadd.s32 @!p1 $0xFFFFFF80  }
0xac: {  	s16 =	sld [smem:s15+$0x6];
	_ =	sdelay $0x2  }
0xad: {  	p1 =	slt.s32 s16, $0x0  }
0xae: {  	s16 =	simm.s32 @!p1 $0x1  }
0xaf: {  	_ =	swait.ge @!p1 [sflag:s16], $0x80  }
0xb0: {  	[sflag:s16] =	ssyncset.done @!p1 $0x0  }
0xb1: {  	[sflag:s16] =	ssyncadd.s32 @!p1 $0xFFFFFF80  }
0xb2: {  	s15 =	sld [smem:s15+$0x7];
	_ =	sdelay $0x1  }
.Ltmp1:
0xb3: {  	(pc) =	sbr.rel @p0 .LBB2_4-.Ltmp1, $4  }
0xb4: {  	p1 =	slt.s32 s15, $0x0  }
0xb5: {  	s16 =	simm.s32 @!p1 $0x1  }
0xb6: {  	_ =	swait.ge @!p1 [sflag:s16], $0x80  }
0xb7: {  	[sflag:s16] =	ssyncset.done @!p1 $0x0  }
0xb8: {  	s13 =	sshra.s32 s13, $0x2;
	[sflag:s16] =	ssyncadd.s32 @!p1 $0xFFFFFF80  }
0xb9: {  	s14 =	sld [smem:s13+$0x0];
	_ =	sdelay $0x2  }
0xba: {  	p0 =	slt.s32 s14, $0x0  }
0xbb: {  	s14 =	simm.s32 @!p0 $0x1  }
0xbc: {  	_ =	swait.ge @!p0 [sflag:s14], $0x80  }
0xbd: {  	[sflag:s14] =	ssyncset.done @!p0 $0x0  }
0xbe: {  	[sflag:s14] =	ssyncadd.s32 @!p0 $0xFFFFFF80  }
0xbf: {  	s14 =	sld [smem:s13+$0x1];
	_ =	sdelay $0x2  }
0xc0: {  	p0 =	slt.s32 s14, $0x0  }
0xc1: {  	s14 =	simm.s32 @!p0 $0x1  }
0xc2: {  	_ =	swait.ge @!p0 [sflag:s14], $0x80  }
0xc3: {  	[sflag:s14] =	ssyncset.done @!p0 $0x0  }
0xc4: {  	[sflag:s14] =	ssyncadd.s32 @!p0 $0xFFFFFF80  }
0xc5: {  	s14 =	sld [smem:s13+$0x2];
	_ =	sdelay $0x2  }
0xc6: {  	p0 =	slt.s32 s14, $0x0  }
0xc7: {  	s14 =	simm.s32 @!p0 $0x1  }
0xc8: {  	_ =	swait.ge @!p0 [sflag:s14], $0x80  }
0xc9: {  	[sflag:s14] =	ssyncset.done @!p0 $0x0  }
0xca: {  	[sflag:s14] =	ssyncadd.s32 @!p0 $0xFFFFFF80  }
0xcb: {  	s14 =	sld [smem:s13+$0x3];
	_ =	sdelay $0x2  }
0xcc: {  	p0 =	slt.s32 s14, $0x0  }
0xcd: {  	s14 =	simm.s32 @!p0 $0x1  }
0xce: {  	_ =	swait.ge @!p0 [sflag:s14], $0x80  }
0xcf: {  	[sflag:s14] =	ssyncset.done @!p0 $0x0  }
0xd0: {  	[sflag:s14] =	ssyncadd.s32 @!p0 $0xFFFFFF80  }
0xd1: {  	s14 =	sld [smem:s13+$0x4];
	_ =	sdelay $0x2  }
0xd2: {  	p0 =	slt.s32 s14, $0x0  }
0xd3: {  	s14 =	simm.s32 @!p0 $0x1  }
0xd4: {  	_ =	swait.ge @!p0 [sflag:s14], $0x80  }
0xd5: {  	[sflag:s14] =	ssyncset.done @!p0 $0x0  }
0xd6: {  	[sflag:s14] =	ssyncadd.s32 @!p0 $0xFFFFFF80  }
0xd7: {  	s14 =	sld [smem:s13+$0x5];
	_ =	sdelay $0x2  }
0xd8: {  	p0 =	slt.s32 s14, $0x0  }
0xd9: {  	s14 =	simm.s32 @!p0 $0x1  }
0xda: {  	_ =	swait.ge @!p0 [sflag:s14], $0x80  }
0xdb: {  	[sflag:s14] =	ssyncset.done @!p0 $0x0  }
0xdc: {  	[sflag:s14] =	ssyncadd.s32 @!p0 $0xFFFFFF80  }
0xdd: {  	s14 =	sld [smem:s13+$0x6];
	_ =	sdelay $0x2  }
0xde: {  	p0 =	slt.s32 s14, $0x0  }
0xdf: {  	s14 =	simm.s32 @!p0 $0x1  }
0xe0: {  	_ =	swait.ge @!p0 [sflag:s14], $0x80  }
0xe1: {  	[sflag:s14] =	ssyncset.done @!p0 $0x0  }
0xe2: {  	[sflag:s14] =	ssyncadd.s32 @!p0 $0xFFFFFF80  }
0xe3: {  	s13 =	sld [smem:s13+$0x7];
	_ =	sdelay $0x2  }
0xe4: {  	p0 =	slt.s32 s13, $0x0  }
0xe5: {  	s13 =	simm.s32 @!p0 $0x1  }
0xe6: {  	_ =	swait.ge @!p0 [sflag:s13], $0x80  }
0xe7: {  	s12 =	sadd.s32 $0x1, s12;
	[sflag:s13] =	ssyncset.done @!p0 $0x0  }
0xe8: {  	[sflag:s13] =	ssyncadd.s32 @!p0 $0xFFFFFF80;
	p0 =	sne.s32 s12, s8  }
.Ltmp2:
0xe9: {  	_ = 	snop;
	(pc) =	sbr.rel @p0 .LBB2_1-.Ltmp2, $4  }
0xea: {  	[hbm4b:s7+s2] =	stream.linear.scatter [tilespmem:s11], [sflag:$0x2], $0x10000, $0x38;
	[tilespmem:$0x10400] =	vst v63  }
0xeb: {  	_ =	swait.ge [sflag:s10], $0x10000  }
0xec: {  	[sflag:s10] =	ssyncset.done $0x0  }
0xed: {  	[sflag:s10] =	ssyncadd.s32 $0xFFFF0000  }
0xee: {  	_ =	sfence.sel $0x180000  }
0xef: {  	[bflag:$0x0] =	sbarrier.arrive $0xFFFF  }
0xf0: {  	p0 =	sne.s32 s1, $0x0;
	_ =	strace $0x90000047  }
0xf1: {  	s0 =	sadd.s32 @!p0 $0x100000, s0;
	[bflag:$0x2] =	sbarrier.arrive $0xFFFF  }
0xf2: {  	[sflag:s0] =	ssyncadd.tile.s32 @!p0 $0x1;
	_ =	shalt  }
.Lfunc_end2:
_tile_overlayer_lowered:
.L_overlay_start_2:
0xf3: {  	(tag) =	ssettag $0x2  }
0xf4: {  	s0 =	rddreg [dreg:$0x0];
	s2 =	stileid.u32  }
0xf5: {  	s1 =	rddreg [dreg:$0x1];
	p0 =	sne.s32 s2, $0x0  }
0xf6: {  	s3 =	rddreg [dreg:$0x2];
	[bflag:$0x3] =	sbarrier.arrive $0xFFFF;
	s2 =	simm.s32 @!p0 $0x1C02  }
0xf7: {  	[timem:s3], [sflag:s2] =	dma.local @!p0 [hbm:s0], s1  }
0xf8: {  	s0 =	simm.s32 @!p0 $0x2  }
0xf9: {  	_ =	swait.ge @!p0 [sflag:s0], s1  }
0xfa: {  	s1 =	ssub.s32 @!p0 $0x0, s1;
	[sflag:s0] =	ssyncset.done @!p0 $0x0  }
0xfb: {  	[sflag:s0] =	ssyncadd.s32 @!p0 s1  }
0xfc: {  	[bflag:$0x3] =	sbarrier.arrive $0xFFFF  }
0xfd: {  	_ =	shalt  }

</sc_bundles>
